<compile_context>
chip_gen: v7x
topology: tpu7x:2x2x1
jax: 0.10.2.dev20260603
libtpu: 0.0.44.dev20260713+nightly
codegen_flags: <defaults>
</compile_context>

<pallas_src>
import functools

import jax
import jax.numpy as jnp
from jax import lax
from jax.experimental import pallas as pl
from jax.experimental.pallas import tpu as pltpu
from jax.experimental.pallas import tpu_sc as plsc

V = 100000
D = 64
O = 20
B = 16384
L = 50

OP = 32
T = B * L
NC, NS = 2, 16
NW = NC * NS
TPW = T // NW
CHUNK = 128
NCH = TPW // CHUNK

BBT = 1024
SB = BBT * L
CS = SB // 4
GT = 1280
GCH = GT // CHUNK
NGW = TPW // GT
NPAIR = NGW // 2
OUT_ROWS = T * OP // 128


def _table_body(emb_ref, w_ref, b_ref, out_ref):
    z = jnp.dot(emb_ref[...], w_ref[...], preferred_element_type=jnp.float32)
    out_ref[...] = jax.nn.sigmoid(z + b_ref[...])


_VR = 8

_table_call = pl.pallas_call(
    _table_body,
    in_specs=[
        pl.BlockSpec((V // _VR, D * _VR), lambda: (0, 0)),
        pl.BlockSpec((D * _VR, OP * _VR), lambda: (0, 0)),
        pl.BlockSpec((1, OP * _VR), lambda: (0, 0)),
    ],
    out_specs=pl.BlockSpec((V // _VR, OP * _VR), lambda: (0, 0)),
    out_shape=jax.ShapeDtypeStruct((V // _VR, OP * _VR), jnp.float32),
)


@functools.cache
def _make_gather_call():
    mesh = plsc.VectorSubcoreMesh(core_axis_name="c", subcore_axis_name="s")

    @functools.partial(
        pl.kernel,
        mesh=mesh,
        out_type=jax.ShapeDtypeStruct((OUT_ROWS, 128), jnp.float32),
        scratch_types=[
            pltpu.VMEM((NCH, CHUNK), jnp.int32),
            pltpu.VMEM((GT, OP), jnp.float32),
            pltpu.VMEM((GT, OP), jnp.float32),
            pltpu.SemaphoreType.DMA,
            pltpu.SemaphoreType.DMA,
            pltpu.SemaphoreType.DMA,
            pltpu.SemaphoreType.DMA,
        ],
        compiler_params=pltpu.CompilerParams(use_tc_tiling_on_sc=False),
    )
    def gather_call(table_hbm, idx_hbm, out_hbm, idx_v, rows0, rows1,
                    gsem0, gsem1, osem0, osem1):
        wid = lax.axis_index("s") * NC + lax.axis_index("c")
        rows = (rows0, rows1)
        gsem = (gsem0, gsem1)
        osem = (osem0, osem1)
        pltpu.sync_copy(idx_hbm.at[pl.ds(wid * NCH, NCH)], idx_v)

        def fire_gathers(g, s):
            for k in range(GCH):
                pltpu.async_copy(table_hbm.at[idx_v.at[g * GCH + k]],
                                 rows[s].at[pl.ds(k * CHUNK, CHUNK)], gsem[s])

        def wait_gathers(s):
            pltpu.make_async_copy(table_hbm.at[pl.ds(0, GT)], rows[s],
                                  gsem[s]).wait()

        def fire_write(g, s):
            tb = wid * TPW + g * GT
            sb = tb // SB
            rem = tb - sb * SB
            c = rem // CS
            u0 = rem - c * CS
            pltpu.async_copy(
                rows[s],
                out_hbm.at[pl.ds(sb * CS + u0, GT), pl.ds(c * OP, OP)],
                osem[s])

        def wait_write(s):
            pltpu.make_async_copy(rows[s],
                                  out_hbm.at[pl.ds(0, GT), pl.ds(0, OP)],
                                  osem[s]).wait()

        fire_gathers(0, 0)

        def body(gg, carry):
            g0 = 2 * gg
            wait_gathers(0)

            @pl.when(gg > 0)
            def _():
                wait_write(1)

            fire_gathers(g0 + 1, 1)
            fire_write(g0, 0)
            wait_gathers(1)
            wait_write(0)

            @pl.when(gg < NPAIR - 1)
            def _():
                fire_gathers(g0 + 2, 0)

            fire_write(g0 + 1, 1)
            return carry

        lax.fori_loop(0, NPAIR, body, 0)
        wait_write(1)

    return gather_call


def _compact_body(in_ref, out_ref):
    xt = in_ref[...].T
    parts = [xt[c * OP:c * OP + O, :].reshape(O, L, BBT // 4)
             for c in range(4)]
    out_ref[...] = jnp.concatenate(parts, axis=2)


_compact_call = pl.pallas_call(
    _compact_body,
    grid=(B // BBT,),
    in_specs=[pl.BlockSpec((CS, 128), lambda i: (i, 0))],
    out_specs=pl.BlockSpec((O, L, BBT), lambda i: (0, 0, i)),
    out_shape=jax.ShapeDtypeStruct((O, L, B), jnp.float32),
)


def kernel(x, emb, W, b):
    Wp = jnp.pad(W, ((0, 0), (0, OP - O)))
    bp = jnp.pad(b, (0, OP - O))
    wbd = jnp.kron(jnp.eye(_VR, dtype=jnp.float32), Wp)
    bbd = jnp.tile(bp, _VR).reshape(1, OP * _VR)
    table8 = _table_call(emb.reshape(V // _VR, D * _VR), wbd, bbd)
    table = table8.reshape(V, OP)
    idx = (x.reshape(B // BBT, 4, BBT // 4, L)
            .transpose(0, 1, 3, 2)
            .reshape(T // CHUNK, CHUNK)
            .astype(jnp.int32))
    padded = _make_gather_call()(table, idx)
    out_t = _compact_call(padded)
    return jnp.transpose(out_t, (2, 1, 0))

# --- scband reference (transcript-rebuilt; emitter-appended) ---
"""Pipeline reference for scband-genre-classifier-logistic-15642270892048 (READ-ONLY COPY).

The authoritative reference and input builder live on the scoring server;
editing this copy changes nothing except your own understanding.
"""

import jax, jax.numpy as jnp
import numpy as np

VOCAB = 100000
EMBED_DIM = 64
OUTPUT_DIM = 20
BATCH = 16384
SEQ = 50


def setup_inputs(seed: int = 0) -> dict:
    key = jax.random.key(seed)
    k1, k2, k3 = jax.random.split(key, 3)
    x = jax.random.randint(k1, (BATCH, SEQ), 0, VOCAB, dtype=jnp.int64 if jax.config.jax_enable_x64 else jnp.int32)
    emb = jax.random.normal(k2, (VOCAB, EMBED_DIM), dtype=jnp.float32) * 0.02
    W = jax.random.normal(k3, (EMBED_DIM, OUTPUT_DIM), dtype=jnp.float32) * 0.05
    b = jnp.zeros((OUTPUT_DIM,), dtype=jnp.float32)
    return {"x": x, "emb": emb, "W": W, "b": b}


def reference(x, emb, W, b):
    # x = x.long(); embedding lookup
    e = jnp.take(emb, x, axis=0)              # [B, L, D]
    logits = jnp.matmul(e, W) + b             # [B, L, OUT]
    return jax.nn.sigmoid(logits)

if __name__ == "__main__":
    import jax
    _d = setup_inputs()
    print(jax.jit(kernel)(*tuple(_d.values())))

</pallas_src>

<mosaic_0001>
#map = affine_map<(d0, d1) -> (0, 0)>
module attributes {stable_mosaic.version = 14 : i64} {
  func.func @gather_call(%arg0: i32, %arg1: i32, %arg2: memref<100000x32xf32, #tpu.memory_space<hbm>>, %arg3: memref<6400x128xi32, #tpu.memory_space<hbm>>, %arg4: memref<204800x128xf32, #tpu.memory_space<hbm>>, %arg5: memref<200x128xi32, #tpu.memory_space<vmem>>, %arg6: memref<1280x32xf32, #tpu.memory_space<vmem>>, %arg7: memref<1280x32xf32, #tpu.memory_space<vmem>>, %arg8: memref<!tpu.dma_semaphore, #tpu.memory_space<semaphore_mem>>, %arg9: memref<!tpu.dma_semaphore, #tpu.memory_space<semaphore_mem>>, %arg10: memref<!tpu.dma_semaphore, #tpu.memory_space<semaphore_mem>>, %arg11: memref<!tpu.dma_semaphore, #tpu.memory_space<semaphore_mem>>) attributes {dimension_semantics = [#tpu.dimension_semantics<core_parallel>, #tpu.dimension_semantics<subcore_parallel>], iteration_bounds = array<i64: 2, 16>, scalar_prefetch = 0 : i64, scratch_operands = 7 : i64, tpu.core_type = #tpu.core_type<sc_vector_subcore>, window_params = [{transform_indices = #map}, {transform_indices = #map}, {transform_indices = #map}]} {
    %mul3A = arith.constant 2 : i32
    %mul3A_0 = arith.muli %arg1, %mul3A : i32
    %add3A = arith.addi %mul3A_0, %arg0 : i32
    %mul3A_1 = arith.constant 200 : i32
    %mul3A_2 = arith.muli %add3A, %mul3A_1 : i32
    "tpu.region"() ({
      %run_scoped3A = tpu.sem_alloc : memref<!tpu.dma_semaphore, #tpu.memory_space<semaphore_mem>>
      %dma_start3A_112 = arith.constant 0 : i32
      %dma_start3A_113 = tpu.memref_slice %arg3[%mul3A_2, %dma_start3A_112] : memref<6400x128xi32, #tpu.memory_space<hbm>> -> memref<200x128xi32, #tpu.memory_space<hbm>>
      %dma_start3A_114 = arith.constant 0 : i32
      %dma_start3A_115 = tpu.memref_slice %arg3[%mul3A_2, %dma_start3A_114] : memref<6400x128xi32, #tpu.memory_space<hbm>> -> memref<200x128xi32, #tpu.memory_space<hbm>>
      tpu.enqueue_dma source(%dma_start3A_115 : memref<200x128xi32, #tpu.memory_space<hbm>>) target(%arg5 : memref<200x128xi32, #tpu.memory_space<vmem>>) target_semaphore(%run_scoped3A : memref<!tpu.dma_semaphore, #tpu.memory_space<semaphore_mem>>)
      %dma_wait3A_116 = arith.constant 0 : i32
      %dma_wait3A_117 = tpu.memref_slice %arg3[%mul3A_2, %dma_wait3A_116] : memref<6400x128xi32, #tpu.memory_space<hbm>> -> memref<200x128xi32, #tpu.memory_space<hbm>>
      %dma_wait3A_118 = arith.constant 0 : i32
      %dma_wait3A_119 = tpu.memref_slice %arg3[%mul3A_2, %dma_wait3A_118] : memref<6400x128xi32, #tpu.memory_space<hbm>> -> memref<200x128xi32, #tpu.memory_space<hbm>>
      tpu.wait_dma2 semaphore(%run_scoped3A : memref<!tpu.dma_semaphore, #tpu.memory_space<semaphore_mem>>) src(%dma_wait3A_119 : memref<200x128xi32, #tpu.memory_space<hbm>>) dst(%arg5 : memref<200x128xi32, #tpu.memory_space<vmem>>)
      tpu.yield
    }) : () -> ()
    %dma_start3A = arith.constant 0 : i32
    %dma_start3A_3 = arith.constant 0 : i32
    %dma_start3A_4 = arith.constant 0 : i32
    %dma_start3A_5 = tpu.memref_slice %arg6[%dma_start3A_3, %dma_start3A_4] : memref<1280x32xf32, #tpu.memory_space<vmem>> -> memref<128x32xf32, #tpu.memory_space<vmem>>
    %dma_start3A_6 = arith.constant 0 : i32
    %dma_start3A_7 = tpu.memref_slice %arg5[%dma_start3A, %dma_start3A_6] : memref<200x128xi32, #tpu.memory_space<vmem>> -> memref<1x128xi32, #tpu.memory_space<vmem>>
    %dma_start3A_8 = tpu.memref_squeeze %dma_start3A_7 : memref<1x128xi32, #tpu.memory_space<vmem>> -> memref<128xi32, #tpu.memory_space<vmem>>
    %dma_start3A_9 = arith.constant 0 : i32
    %dma_start3A_10 = arith.constant 0 : i32
    %dma_start3A_11 = tpu.memref_slice %arg2[%dma_start3A_9, %dma_start3A_10] : memref<100000x32xf32, #tpu.memory_space<hbm>> -> memref<100000x32xf32, #tpu.memory_space<hbm>>
    tpu.enqueue_indirect_dma source(%dma_start3A_11 : memref<100000x32xf32, #tpu.memory_space<hbm>>) target(%dma_start3A_5 : memref<128x32xf32, #tpu.memory_space<vmem>>) offsets(%dma_start3A_8 : memref<128xi32, #tpu.memory_space<vmem>>) semaphore(%arg8 : memref<!tpu.dma_semaphore, #tpu.memory_space<semaphore_mem>>)
    %dma_start3A_12 = arith.constant 1 : i32
    %dma_start3A_13 = arith.constant 128 : i32
    %dma_start3A_14 = arith.constant 0 : i32
    %dma_start3A_15 = tpu.memref_slice %arg6[%dma_start3A_13, %dma_start3A_14] : memref<1280x32xf32, #tpu.memory_space<vmem>> -> memref<128x32xf32, #tpu.memory_space<vmem>>
    %dma_start3A_16 = arith.constant 0 : i32
    %dma_start3A_17 = tpu.memref_slice %arg5[%dma_start3A_12, %dma_start3A_16] : memref<200x128xi32, #tpu.memory_space<vmem>> -> memref<1x128xi32, #tpu.memory_space<vmem>>
    %dma_start3A_18 = tpu.memref_squeeze %dma_start3A_17 : memref<1x128xi32, #tpu.memory_space<vmem>> -> memref<128xi32, #tpu.memory_space<vmem>>
    %dma_start3A_19 = arith.constant 0 : i32
    %dma_start3A_20 = arith.constant 0 : i32
    %dma_start3A_21 = tpu.memref_slice %arg2[%dma_start3A_19, %dma_start3A_20] : memref<100000x32xf32, #tpu.memory_space<hbm>> -> memref<100000x32xf32, #tpu.memory_space<hbm>>
    tpu.enqueue_indirect_dma source(%dma_start3A_21 : memref<100000x32xf32, #tpu.memory_space<hbm>>) target(%dma_start3A_15 : memref<128x32xf32, #tpu.memory_space<vmem>>) offsets(%dma_start3A_18 : memref<128xi32, #tpu.memory_space<vmem>>) semaphore(%arg8 : memref<!tpu.dma_semaphore, #tpu.memory_space<semaphore_mem>>)
    %dma_start3A_22 = arith.constant 2 : i32
    %dma_start3A_23 = arith.constant 256 : i32
    %dma_start3A_24 = arith.constant 0 : i32
    %dma_start3A_25 = tpu.memref_slice %arg6[%dma_start3A_23, %dma_start3A_24] : memref<1280x32xf32, #tpu.memory_space<vmem>> -> memref<128x32xf32, #tpu.memory_space<vmem>>
    %dma_start3A_26 = arith.constant 0 : i32
    %dma_start3A_27 = tpu.memref_slice %arg5[%dma_start3A_22, %dma_start3A_26] : memref<200x128xi32, #tpu.memory_space<vmem>> -> memref<1x128xi32, #tpu.memory_space<vmem>>
    %dma_start3A_28 = tpu.memref_squeeze %dma_start3A_27 : memref<1x128xi32, #tpu.memory_space<vmem>> -> memref<128xi32, #tpu.memory_space<vmem>>
    %dma_start3A_29 = arith.constant 0 : i32
    %dma_start3A_30 = arith.constant 0 : i32
    %dma_start3A_31 = tpu.memref_slice %arg2[%dma_start3A_29, %dma_start3A_30] : memref<100000x32xf32, #tpu.memory_space<hbm>> -> memref<100000x32xf32, #tpu.memory_space<hbm>>
    tpu.enqueue_indirect_dma source(%dma_start3A_31 : memref<100000x32xf32, #tpu.memory_space<hbm>>) target(%dma_start3A_25 : memref<128x32xf32, #tpu.memory_space<vmem>>) offsets(%dma_start3A_28 : memref<128xi32, #tpu.memory_space<vmem>>) semaphore(%arg8 : memref<!tpu.dma_semaphore, #tpu.memory_space<semaphore_mem>>)
    %dma_start3A_32 = arith.constant 3 : i32
    %dma_start3A_33 = arith.constant 384 : i32
    %dma_start3A_34 = arith.constant 0 : i32
    %dma_start3A_35 = tpu.memref_slice %arg6[%dma_start3A_33, %dma_start3A_34] : memref<1280x32xf32, #tpu.memory_space<vmem>> -> memref<128x32xf32, #tpu.memory_space<vmem>>
    %dma_start3A_36 = arith.constant 0 : i32
    %dma_start3A_37 = tpu.memref_slice %arg5[%dma_start3A_32, %dma_start3A_36] : memref<200x128xi32, #tpu.memory_space<vmem>> -> memref<1x128xi32, #tpu.memory_space<vmem>>
    %dma_start3A_38 = tpu.memref_squeeze %dma_start3A_37 : memref<1x128xi32, #tpu.memory_space<vmem>> -> memref<128xi32, #tpu.memory_space<vmem>>
    %dma_start3A_39 = arith.constant 0 : i32
    %dma_start3A_40 = arith.constant 0 : i32
    %dma_start3A_41 = tpu.memref_slice %arg2[%dma_start3A_39, %dma_start3A_40] : memref<100000x32xf32, #tpu.memory_space<hbm>> -> memref<100000x32xf32, #tpu.memory_space<hbm>>
    tpu.enqueue_indirect_dma source(%dma_start3A_41 : memref<100000x32xf32, #tpu.memory_space<hbm>>) target(%dma_start3A_35 : memref<128x32xf32, #tpu.memory_space<vmem>>) offsets(%dma_start3A_38 : memref<128xi32, #tpu.memory_space<vmem>>) semaphore(%arg8 : memref<!tpu.dma_semaphore, #tpu.memory_space<semaphore_mem>>)
    %dma_start3A_42 = arith.constant 4 : i32
    %dma_start3A_43 = arith.constant 512 : i32
    %dma_start3A_44 = arith.constant 0 : i32
    %dma_start3A_45 = tpu.memref_slice %arg6[%dma_start3A_43, %dma_start3A_44] : memref<1280x32xf32, #tpu.memory_space<vmem>> -> memref<128x32xf32, #tpu.memory_space<vmem>>
    %dma_start3A_46 = arith.constant 0 : i32
    %dma_start3A_47 = tpu.memref_slice %arg5[%dma_start3A_42, %dma_start3A_46] : memref<200x128xi32, #tpu.memory_space<vmem>> -> memref<1x128xi32, #tpu.memory_space<vmem>>
    %dma_start3A_48 = tpu.memref_squeeze %dma_start3A_47 : memref<1x128xi32, #tpu.memory_space<vmem>> -> memref<128xi32, #tpu.memory_space<vmem>>
    %dma_start3A_49 = arith.constant 0 : i32
    %dma_start3A_50 = arith.constant 0 : i32
    %dma_start3A_51 = tpu.memref_slice %arg2[%dma_start3A_49, %dma_start3A_50] : memref<100000x32xf32, #tpu.memory_space<hbm>> -> memref<100000x32xf32, #tpu.memory_space<hbm>>
    tpu.enqueue_indirect_dma source(%dma_start3A_51 : memref<100000x32xf32, #tpu.memory_space<hbm>>) target(%dma_start3A_45 : memref<128x32xf32, #tpu.memory_space<vmem>>) offsets(%dma_start3A_48 : memref<128xi32, #tpu.memory_space<vmem>>) semaphore(%arg8 : memref<!tpu.dma_semaphore, #tpu.memory_space<semaphore_mem>>)
    %dma_start3A_52 = arith.constant 5 : i32
    %dma_start3A_53 = arith.constant 640 : i32
    %dma_start3A_54 = arith.constant 0 : i32
    %dma_start3A_55 = tpu.memref_slice %arg6[%dma_start3A_53, %dma_start3A_54] : memref<1280x32xf32, #tpu.memory_space<vmem>> -> memref<128x32xf32, #tpu.memory_space<vmem>>
    %dma_start3A_56 = arith.constant 0 : i32
    %dma_start3A_57 = tpu.memref_slice %arg5[%dma_start3A_52, %dma_start3A_56] : memref<200x128xi32, #tpu.memory_space<vmem>> -> memref<1x128xi32, #tpu.memory_space<vmem>>
    %dma_start3A_58 = tpu.memref_squeeze %dma_start3A_57 : memref<1x128xi32, #tpu.memory_space<vmem>> -> memref<128xi32, #tpu.memory_space<vmem>>
    %dma_start3A_59 = arith.constant 0 : i32
    %dma_start3A_60 = arith.constant 0 : i32
    %dma_start3A_61 = tpu.memref_slice %arg2[%dma_start3A_59, %dma_start3A_60] : memref<100000x32xf32, #tpu.memory_space<hbm>> -> memref<100000x32xf32, #tpu.memory_space<hbm>>
    tpu.enqueue_indirect_dma source(%dma_start3A_61 : memref<100000x32xf32, #tpu.memory_space<hbm>>) target(%dma_start3A_55 : memref<128x32xf32, #tpu.memory_space<vmem>>) offsets(%dma_start3A_58 : memref<128xi32, #tpu.memory_space<vmem>>) semaphore(%arg8 : memref<!tpu.dma_semaphore, #tpu.memory_space<semaphore_mem>>)
    %dma_start3A_62 = arith.constant 6 : i32
    %dma_start3A_63 = arith.constant 768 : i32
    %dma_start3A_64 = arith.constant 0 : i32
    %dma_start3A_65 = tpu.memref_slice %arg6[%dma_start3A_63, %dma_start3A_64] : memref<1280x32xf32, #tpu.memory_space<vmem>> -> memref<128x32xf32, #tpu.memory_space<vmem>>
    %dma_start3A_66 = arith.constant 0 : i32
    %dma_start3A_67 = tpu.memref_slice %arg5[%dma_start3A_62, %dma_start3A_66] : memref<200x128xi32, #tpu.memory_space<vmem>> -> memref<1x128xi32, #tpu.memory_space<vmem>>
    %dma_start3A_68 = tpu.memref_squeeze %dma_start3A_67 : memref<1x128xi32, #tpu.memory_space<vmem>> -> memref<128xi32, #tpu.memory_space<vmem>>
    %dma_start3A_69 = arith.constant 0 : i32
    %dma_start3A_70 = arith.constant 0 : i32
    %dma_start3A_71 = tpu.memref_slice %arg2[%dma_start3A_69, %dma_start3A_70] : memref<100000x32xf32, #tpu.memory_space<hbm>> -> memref<100000x32xf32, #tpu.memory_space<hbm>>
    tpu.enqueue_indirect_dma source(%dma_start3A_71 : memref<100000x32xf32, #tpu.memory_space<hbm>>) target(%dma_start3A_65 : memref<128x32xf32, #tpu.memory_space<vmem>>) offsets(%dma_start3A_68 : memref<128xi32, #tpu.memory_space<vmem>>) semaphore(%arg8 : memref<!tpu.dma_semaphore, #tpu.memory_space<semaphore_mem>>)
    %dma_start3A_72 = arith.constant 7 : i32
    %dma_start3A_73 = arith.constant 896 : i32
    %dma_start3A_74 = arith.constant 0 : i32
    %dma_start3A_75 = tpu.memref_slice %arg6[%dma_start3A_73, %dma_start3A_74] : memref<1280x32xf32, #tpu.memory_space<vmem>> -> memref<128x32xf32, #tpu.memory_space<vmem>>
    %dma_start3A_76 = arith.constant 0 : i32
    %dma_start3A_77 = tpu.memref_slice %arg5[%dma_start3A_72, %dma_start3A_76] : memref<200x128xi32, #tpu.memory_space<vmem>> -> memref<1x128xi32, #tpu.memory_space<vmem>>
    %dma_start3A_78 = tpu.memref_squeeze %dma_start3A_77 : memref<1x128xi32, #tpu.memory_space<vmem>> -> memref<128xi32, #tpu.memory_space<vmem>>
    %dma_start3A_79 = arith.constant 0 : i32
    %dma_start3A_80 = arith.constant 0 : i32
    %dma_start3A_81 = tpu.memref_slice %arg2[%dma_start3A_79, %dma_start3A_80] : memref<100000x32xf32, #tpu.memory_space<hbm>> -> memref<100000x32xf32, #tpu.memory_space<hbm>>
    tpu.enqueue_indirect_dma source(%dma_start3A_81 : memref<100000x32xf32, #tpu.memory_space<hbm>>) target(%dma_start3A_75 : memref<128x32xf32, #tpu.memory_space<vmem>>) offsets(%dma_start3A_78 : memref<128xi32, #tpu.memory_space<vmem>>) semaphore(%arg8 : memref<!tpu.dma_semaphore, #tpu.memory_space<semaphore_mem>>)
    %dma_start3A_82 = arith.constant 8 : i32
    %dma_start3A_83 = arith.constant 1024 : i32
    %dma_start3A_84 = arith.constant 0 : i32
    %dma_start3A_85 = tpu.memref_slice %arg6[%dma_start3A_83, %dma_start3A_84] : memref<1280x32xf32, #tpu.memory_space<vmem>> -> memref<128x32xf32, #tpu.memory_space<vmem>>
    %dma_start3A_86 = arith.constant 0 : i32
    %dma_start3A_87 = tpu.memref_slice %arg5[%dma_start3A_82, %dma_start3A_86] : memref<200x128xi32, #tpu.memory_space<vmem>> -> memref<1x128xi32, #tpu.memory_space<vmem>>
    %dma_start3A_88 = tpu.memref_squeeze %dma_start3A_87 : memref<1x128xi32, #tpu.memory_space<vmem>> -> memref<128xi32, #tpu.memory_space<vmem>>
    %dma_start3A_89 = arith.constant 0 : i32
    %dma_start3A_90 = arith.constant 0 : i32
    %dma_start3A_91 = tpu.memref_slice %arg2[%dma_start3A_89, %dma_start3A_90] : memref<100000x32xf32, #tpu.memory_space<hbm>> -> memref<100000x32xf32, #tpu.memory_space<hbm>>
    tpu.enqueue_indirect_dma source(%dma_start3A_91 : memref<100000x32xf32, #tpu.memory_space<hbm>>) target(%dma_start3A_85 : memref<128x32xf32, #tpu.memory_space<vmem>>) offsets(%dma_start3A_88 : memref<128xi32, #tpu.memory_space<vmem>>) semaphore(%arg8 : memref<!tpu.dma_semaphore, #tpu.memory_space<semaphore_mem>>)
    %dma_start3A_92 = arith.constant 9 : i32
    %dma_start3A_93 = arith.constant 1152 : i32
    %dma_start3A_94 = arith.constant 0 : i32
    %dma_start3A_95 = tpu.memref_slice %arg6[%dma_start3A_93, %dma_start3A_94] : memref<1280x32xf32, #tpu.memory_space<vmem>> -> memref<128x32xf32, #tpu.memory_space<vmem>>
    %dma_start3A_96 = arith.constant 0 : i32
    %dma_start3A_97 = tpu.memref_slice %arg5[%dma_start3A_92, %dma_start3A_96] : memref<200x128xi32, #tpu.memory_space<vmem>> -> memref<1x128xi32, #tpu.memory_space<vmem>>
    %dma_start3A_98 = tpu.memref_squeeze %dma_start3A_97 : memref<1x128xi32, #tpu.memory_space<vmem>> -> memref<128xi32, #tpu.memory_space<vmem>>
    %dma_start3A_99 = arith.constant 0 : i32
    %dma_start3A_100 = arith.constant 0 : i32
    %dma_start3A_101 = tpu.memref_slice %arg2[%dma_start3A_99, %dma_start3A_100] : memref<100000x32xf32, #tpu.memory_space<hbm>> -> memref<100000x32xf32, #tpu.memory_space<hbm>>
    tpu.enqueue_indirect_dma source(%dma_start3A_101 : memref<100000x32xf32, #tpu.memory_space<hbm>>) target(%dma_start3A_95 : memref<128x32xf32, #tpu.memory_space<vmem>>) offsets(%dma_start3A_98 : memref<128xi32, #tpu.memory_space<vmem>>) semaphore(%arg8 : memref<!tpu.dma_semaphore, #tpu.memory_space<semaphore_mem>>)
    %scan3A = arith.constant 0 : i32
    %scan3A_102 = arith.constant 0 : i32
    %scan3A_103 = arith.constant 10 : i32
    %scan3A_104 = arith.addi %scan3A_102, %scan3A_103 : i32
    %scan3A_105 = arith.constant 1 : i32
    scf.for %scan3A_112 = %scan3A_102 to %scan3A_104 step %scan3A_105  : i32 {
      %mul3A_113 = arith.constant 2 : i32
      %mul3A_114 = arith.muli %mul3A_113, %scan3A_112 : i32
      %dma_wait3A_115 = arith.constant 0 : i32
      %dma_wait3A_116 = arith.constant 0 : i32
      %dma_wait3A_117 = tpu.memref_slice %arg2[%dma_wait3A_115, %dma_wait3A_116] : memref<100000x32xf32, #tpu.memory_space<hbm>> -> memref<1280x32xf32, #tpu.memory_space<hbm>>
      %dma_wait3A_118 = arith.constant 0 : i32
      %dma_wait3A_119 = arith.constant 0 : i32
      %dma_wait3A_120 = tpu.memref_slice %arg2[%dma_wait3A_118, %dma_wait3A_119] : memref<100000x32xf32, #tpu.memory_space<hbm>> -> memref<1280x32xf32, #tpu.memory_space<hbm>>
      tpu.wait_dma2 semaphore(%arg8 : memref<!tpu.dma_semaphore, #tpu.memory_space<semaphore_mem>>) src(%dma_wait3A_120 : memref<1280x32xf32, #tpu.memory_space<hbm>>) dst(%arg6 : memref<1280x32xf32, #tpu.memory_space<vmem>>)
      %gt3A = arith.constant 0 : i32
      %gt3A_121 = arith.cmpi sgt, %scan3A_112, %gt3A : i32
      %convert_element_type3A = arith.extui %gt3A_121 : i1 to i32
      %cond3A = arith.constant 0 : i32
      %cond3A_122 = arith.cmpi ne, %convert_element_type3A, %cond3A : i32
      scf.if %cond3A_122 {
        %dma_wait3A_397 = arith.constant 0 : i32
        %dma_wait3A_398 = arith.constant 0 : i32
        %dma_wait3A_399 = tpu.memref_slice %arg4[%dma_wait3A_397, %dma_wait3A_398] : memref<204800x128xf32, #tpu.memory_space<hbm>> -> memref<1280x32xf32, #tpu.memory_space<hbm>>
        %dma_wait3A_400 = arith.constant 0 : i32
        %dma_wait3A_401 = arith.constant 0 : i32
        %dma_wait3A_402 = tpu.memref_slice %arg4[%dma_wait3A_400, %dma_wait3A_401] : memref<204800x128xf32, #tpu.memory_space<hbm>> -> memref<1280x32xf32, #tpu.memory_space<hbm>>
        tpu.wait_dma2 semaphore(%arg11 : memref<!tpu.dma_semaphore, #tpu.memory_space<semaphore_mem>>) src(%arg7 : memref<1280x32xf32, #tpu.memory_space<vmem>>) dst(%dma_wait3A_402 : memref<1280x32xf32, #tpu.memory_space<hbm>>)
      } else {
      }
      %add3A_123 = arith.constant 1 : i32
      %add3A_124 = arith.addi %mul3A_114, %add3A_123 : i32
      %mul3A_125 = arith.constant 10 : i32
      %mul3A_126 = arith.muli %add3A_124, %mul3A_125 : i32
      %add3A_127 = arith.constant 0 : i32
      %add3A_128 = arith.addi %mul3A_126, %add3A_127 : i32
      %dma_start3A_129 = arith.constant 0 : i32
      %dma_start3A_130 = arith.constant 0 : i32
      %dma_start3A_131 = tpu.memref_slice %arg7[%dma_start3A_129, %dma_start3A_130] : memref<1280x32xf32, #tpu.memory_space<vmem>> -> memref<128x32xf32, #tpu.memory_space<vmem>>
      %dma_start3A_132 = arith.constant 0 : i32
      %dma_start3A_133 = tpu.memref_slice %arg5[%add3A_128, %dma_start3A_132] : memref<200x128xi32, #tpu.memory_space<vmem>> -> memref<1x128xi32, #tpu.memory_space<vmem>>
      %dma_start3A_134 = tpu.memref_squeeze %dma_start3A_133 : memref<1x128xi32, #tpu.memory_space<vmem>> -> memref<128xi32, #tpu.memory_space<vmem>>
      %dma_start3A_135 = arith.constant 0 : i32
      %dma_start3A_136 = arith.constant 0 : i32
      %dma_start3A_137 = tpu.memref_slice %arg2[%dma_start3A_135, %dma_start3A_136] : memref<100000x32xf32, #tpu.memory_space<hbm>> -> memref<100000x32xf32, #tpu.memory_space<hbm>>
      tpu.enqueue_indirect_dma source(%dma_start3A_137 : memref<100000x32xf32, #tpu.memory_space<hbm>>) target(%dma_start3A_131 : memref<128x32xf32, #tpu.memory_space<vmem>>) offsets(%dma_start3A_134 : memref<128xi32, #tpu.memory_space<vmem>>) semaphore(%arg9 : memref<!tpu.dma_semaphore, #tpu.memory_space<semaphore_mem>>)
      %mul3A_138 = arith.constant 10 : i32
      %mul3A_139 = arith.muli %add3A_124, %mul3A_138 : i32
      %add3A_140 = arith.constant 1 : i32
      %add3A_141 = arith.addi %mul3A_139, %add3A_140 : i32
      %dma_start3A_142 = arith.constant 128 : i32
      %dma_start3A_143 = arith.constant 0 : i32
      %dma_start3A_144 = tpu.memref_slice %arg7[%dma_start3A_142, %dma_start3A_143] : memref<1280x32xf32, #tpu.memory_space<vmem>> -> memref<128x32xf32, #tpu.memory_space<vmem>>
      %dma_start3A_145 = arith.constant 0 : i32
      %dma_start3A_146 = tpu.memref_slice %arg5[%add3A_141, %dma_start3A_145] : memref<200x128xi32, #tpu.memory_space<vmem>> -> memref<1x128xi32, #tpu.memory_space<vmem>>
      %dma_start3A_147 = tpu.memref_squeeze %dma_start3A_146 : memref<1x128xi32, #tpu.memory_space<vmem>> -> memref<128xi32, #tpu.memory_space<vmem>>
      %dma_start3A_148 = arith.constant 0 : i32
      %dma_start3A_149 = arith.constant 0 : i32
      %dma_start3A_150 = tpu.memref_slice %arg2[%dma_start3A_148, %dma_start3A_149] : memref<100000x32xf32, #tpu.memory_space<hbm>> -> memref<100000x32xf32, #tpu.memory_space<hbm>>
      tpu.enqueue_indirect_dma source(%dma_start3A_150 : memref<100000x32xf32, #tpu.memory_space<hbm>>) target(%dma_start3A_144 : memref<128x32xf32, #tpu.memory_space<vmem>>) offsets(%dma_start3A_147 : memref<128xi32, #tpu.memory_space<vmem>>) semaphore(%arg9 : memref<!tpu.dma_semaphore, #tpu.memory_space<semaphore_mem>>)
      %mul3A_151 = arith.constant 10 : i32
      %mul3A_152 = arith.muli %add3A_124, %mul3A_151 : i32
      %add3A_153 = arith.constant 2 : i32
      %add3A_154 = arith.addi %mul3A_152, %add3A_153 : i32
      %dma_start3A_155 = arith.constant 256 : i32
      %dma_start3A_156 = arith.constant 0 : i32
      %dma_start3A_157 = tpu.memref_slice %arg7[%dma_start3A_155, %dma_start3A_156] : memref<1280x32xf32, #tpu.memory_space<vmem>> -> memref<128x32xf32, #tpu.memory_space<vmem>>
      %dma_start3A_158 = arith.constant 0 : i32
      %dma_start3A_159 = tpu.memref_slice %arg5[%add3A_154, %dma_start3A_158] : memref<200x128xi32, #tpu.memory_space<vmem>> -> memref<1x128xi32, #tpu.memory_space<vmem>>
      %dma_start3A_160 = tpu.memref_squeeze %dma_start3A_159 : memref<1x128xi32, #tpu.memory_space<vmem>> -> memref<128xi32, #tpu.memory_space<vmem>>
      %dma_start3A_161 = arith.constant 0 : i32
      %dma_start3A_162 = arith.constant 0 : i32
      %dma_start3A_163 = tpu.memref_slice %arg2[%dma_start3A_161, %dma_start3A_162] : memref<100000x32xf32, #tpu.memory_space<hbm>> -> memref<100000x32xf32, #tpu.memory_space<hbm>>
      tpu.enqueue_indirect_dma source(%dma_start3A_163 : memref<100000x32xf32, #tpu.memory_space<hbm>>) target(%dma_start3A_157 : memref<128x32xf32, #tpu.memory_space<vmem>>) offsets(%dma_start3A_160 : memref<128xi32, #tpu.memory_space<vmem>>) semaphore(%arg9 : memref<!tpu.dma_semaphore, #tpu.memory_space<semaphore_mem>>)
      %mul3A_164 = arith.constant 10 : i32
      %mul3A_165 = arith.muli %add3A_124, %mul3A_164 : i32
      %add3A_166 = arith.constant 3 : i32
      %add3A_167 = arith.addi %mul3A_165, %add3A_166 : i32
      %dma_start3A_168 = arith.constant 384 : i32
      %dma_start3A_169 = arith.constant 0 : i32
      %dma_start3A_170 = tpu.memref_slice %arg7[%dma_start3A_168, %dma_start3A_169] : memref<1280x32xf32, #tpu.memory_space<vmem>> -> memref<128x32xf32, #tpu.memory_space<vmem>>
      %dma_start3A_171 = arith.constant 0 : i32
      %dma_start3A_172 = tpu.memref_slice %arg5[%add3A_167, %dma_start3A_171] : memref<200x128xi32, #tpu.memory_space<vmem>> -> memref<1x128xi32, #tpu.memory_space<vmem>>
      %dma_start3A_173 = tpu.memref_squeeze %dma_start3A_172 : memref<1x128xi32, #tpu.memory_space<vmem>> -> memref<128xi32, #tpu.memory_space<vmem>>
      %dma_start3A_174 = arith.constant 0 : i32
      %dma_start3A_175 = arith.constant 0 : i32
      %dma_start3A_176 = tpu.memref_slice %arg2[%dma_start3A_174, %dma_start3A_175] : memref<100000x32xf32, #tpu.memory_space<hbm>> -> memref<100000x32xf32, #tpu.memory_space<hbm>>
      tpu.enqueue_indirect_dma source(%dma_start3A_176 : memref<100000x32xf32, #tpu.memory_space<hbm>>) target(%dma_start3A_170 : memref<128x32xf32, #tpu.memory_space<vmem>>) offsets(%dma_start3A_173 : memref<128xi32, #tpu.memory_space<vmem>>) semaphore(%arg9 : memref<!tpu.dma_semaphore, #tpu.memory_space<semaphore_mem>>)
      %mul3A_177 = arith.constant 10 : i32
      %mul3A_178 = arith.muli %add3A_124, %mul3A_177 : i32
      %add3A_179 = arith.constant 4 : i32
      %add3A_180 = arith.addi %mul3A_178, %add3A_179 : i32
      %dma_start3A_181 = arith.constant 512 : i32
      %dma_start3A_182 = arith.constant 0 : i32
      %dma_start3A_183 = tpu.memref_slice %arg7[%dma_start3A_181, %dma_start3A_182] : memref<1280x32xf32, #tpu.memory_space<vmem>> -> memref<128x32xf32, #tpu.memory_space<vmem>>
      %dma_start3A_184 = arith.constant 0 : i32
      %dma_start3A_185 = tpu.memref_slice %arg5[%add3A_180, %dma_start3A_184] : memref<200x128xi32, #tpu.memory_space<vmem>> -> memref<1x128xi32, #tpu.memory_space<vmem>>
      %dma_start3A_186 = tpu.memref_squeeze %dma_start3A_185 : memref<1x128xi32, #tpu.memory_space<vmem>> -> memref<128xi32, #tpu.memory_space<vmem>>
      %dma_start3A_187 = arith.constant 0 : i32
      %dma_start3A_188 = arith.constant 0 : i32
      %dma_start3A_189 = tpu.memref_slice %arg2[%dma_start3A_187, %dma_start3A_188] : memref<100000x32xf32, #tpu.memory_space<hbm>> -> memref<100000x32xf32, #tpu.memory_space<hbm>>
      tpu.enqueue_indirect_dma source(%dma_start3A_189 : memref<100000x32xf32, #tpu.memory_space<hbm>>) target(%dma_start3A_183 : memref<128x32xf32, #tpu.memory_space<vmem>>) offsets(%dma_start3A_186 : memref<128xi32, #tpu.memory_space<vmem>>) semaphore(%arg9 : memref<!tpu.dma_semaphore, #tpu.memory_space<semaphore_mem>>)
      %mul3A_190 = arith.constant 10 : i32
      %mul3A_191 = arith.muli %add3A_124, %mul3A_190 : i32
      %add3A_192 = arith.constant 5 : i32
      %add3A_193 = arith.addi %mul3A_191, %add3A_192 : i32
      %dma_start3A_194 = arith.constant 640 : i32
      %dma_start3A_195 = arith.constant 0 : i32
      %dma_start3A_196 = tpu.memref_slice %arg7[%dma_start3A_194, %dma_start3A_195] : memref<1280x32xf32, #tpu.memory_space<vmem>> -> memref<128x32xf32, #tpu.memory_space<vmem>>
      %dma_start3A_197 = arith.constant 0 : i32
      %dma_start3A_198 = tpu.memref_slice %arg5[%add3A_193, %dma_start3A_197] : memref<200x128xi32, #tpu.memory_space<vmem>> -> memref<1x128xi32, #tpu.memory_space<vmem>>
      %dma_start3A_199 = tpu.memref_squeeze %dma_start3A_198 : memref<1x128xi32, #tpu.memory_space<vmem>> -> memref<128xi32, #tpu.memory_space<vmem>>
      %dma_start3A_200 = arith.constant 0 : i32
      %dma_start3A_201 = arith.constant 0 : i32
      %dma_start3A_202 = tpu.memref_slice %arg2[%dma_start3A_200, %dma_start3A_201] : memref<100000x32xf32, #tpu.memory_space<hbm>> -> memref<100000x32xf32, #tpu.memory_space<hbm>>
      tpu.enqueue_indirect_dma source(%dma_start3A_202 : memref<100000x32xf32, #tpu.memory_space<hbm>>) target(%dma_start3A_196 : memref<128x32xf32, #tpu.memory_space<vmem>>) offsets(%dma_start3A_199 : memref<128xi32, #tpu.memory_space<vmem>>) semaphore(%arg9 : memref<!tpu.dma_semaphore, #tpu.memory_space<semaphore_mem>>)
      %mul3A_203 = arith.constant 10 : i32
      %mul3A_204 = arith.muli %add3A_124, %mul3A_203 : i32
      %add3A_205 = arith.constant 6 : i32
      %add3A_206 = arith.addi %mul3A_204, %add3A_205 : i32
      %dma_start3A_207 = arith.constant 768 : i32
      %dma_start3A_208 = arith.constant 0 : i32
      %dma_start3A_209 = tpu.memref_slice %arg7[%dma_start3A_207, %dma_start3A_208] : memref<1280x32xf32, #tpu.memory_space<vmem>> -> memref<128x32xf32, #tpu.memory_space<vmem>>
      %dma_start3A_210 = arith.constant 0 : i32
      %dma_start3A_211 = tpu.memref_slice %arg5[%add3A_206, %dma_start3A_210] : memref<200x128xi32, #tpu.memory_space<vmem>> -> memref<1x128xi32, #tpu.memory_space<vmem>>
      %dma_start3A_212 = tpu.memref_squeeze %dma_start3A_211 : memref<1x128xi32, #tpu.memory_space<vmem>> -> memref<128xi32, #tpu.memory_space<vmem>>
      %dma_start3A_213 = arith.constant 0 : i32
      %dma_start3A_214 = arith.constant 0 : i32
      %dma_start3A_215 = tpu.memref_slice %arg2[%dma_start3A_213, %dma_start3A_214] : memref<100000x32xf32, #tpu.memory_space<hbm>> -> memref<100000x32xf32, #tpu.memory_space<hbm>>
      tpu.enqueue_indirect_dma source(%dma_start3A_215 : memref<100000x32xf32, #tpu.memory_space<hbm>>) target(%dma_start3A_209 : memref<128x32xf32, #tpu.memory_space<vmem>>) offsets(%dma_start3A_212 : memref<128xi32, #tpu.memory_space<vmem>>) semaphore(%arg9 : memref<!tpu.dma_semaphore, #tpu.memory_space<semaphore_mem>>)
      %mul3A_216 = arith.constant 10 : i32
      %mul3A_217 = arith.muli %add3A_124, %mul3A_216 : i32
      %add3A_218 = arith.constant 7 : i32
      %add3A_219 = arith.addi %mul3A_217, %add3A_218 : i32
      %dma_start3A_220 = arith.constant 896 : i32
      %dma_start3A_221 = arith.constant 0 : i32
      %dma_start3A_222 = tpu.memref_slice %arg7[%dma_start3A_220, %dma_start3A_221] : memref<1280x32xf32, #tpu.memory_space<vmem>> -> memref<128x32xf32, #tpu.memory_space<vmem>>
      %dma_start3A_223 = arith.constant 0 : i32
      %dma_start3A_224 = tpu.memref_slice %arg5[%add3A_219, %dma_start3A_223] : memref<200x128xi32, #tpu.memory_space<vmem>> -> memref<1x128xi32, #tpu.memory_space<vmem>>
      %dma_start3A_225 = tpu.memref_squeeze %dma_start3A_224 : memref<1x128xi32, #tpu.memory_space<vmem>> -> memref<128xi32, #tpu.memory_space<vmem>>
      %dma_start3A_226 = arith.constant 0 : i32
      %dma_start3A_227 = arith.constant 0 : i32
      %dma_start3A_228 = tpu.memref_slice %arg2[%dma_start3A_226, %dma_start3A_227] : memref<100000x32xf32, #tpu.memory_space<hbm>> -> memref<100000x32xf32, #tpu.memory_space<hbm>>
      tpu.enqueue_indirect_dma source(%dma_start3A_228 : memref<100000x32xf32, #tpu.memory_space<hbm>>) target(%dma_start3A_222 : memref<128x32xf32, #tpu.memory_space<vmem>>) offsets(%dma_start3A_225 : memref<128xi32, #tpu.memory_space<vmem>>) semaphore(%arg9 : memref<!tpu.dma_semaphore, #tpu.memory_space<semaphore_mem>>)
      %mul3A_229 = arith.constant 10 : i32
      %mul3A_230 = arith.muli %add3A_124, %mul3A_229 : i32
      %add3A_231 = arith.constant 8 : i32
      %add3A_232 = arith.addi %mul3A_230, %add3A_231 : i32
      %dma_start3A_233 = arith.constant 1024 : i32
      %dma_start3A_234 = arith.constant 0 : i32
      %dma_start3A_235 = tpu.memref_slice %arg7[%dma_start3A_233, %dma_start3A_234] : memref<1280x32xf32, #tpu.memory_space<vmem>> -> memref<128x32xf32, #tpu.memory_space<vmem>>
      %dma_start3A_236 = arith.constant 0 : i32
      %dma_start3A_237 = tpu.memref_slice %arg5[%add3A_232, %dma_start3A_236] : memref<200x128xi32, #tpu.memory_space<vmem>> -> memref<1x128xi32, #tpu.memory_space<vmem>>
      %dma_start3A_238 = tpu.memref_squeeze %dma_start3A_237 : memref<1x128xi32, #tpu.memory_space<vmem>> -> memref<128xi32, #tpu.memory_space<vmem>>
      %dma_start3A_239 = arith.constant 0 : i32
      %dma_start3A_240 = arith.constant 0 : i32
      %dma_start3A_241 = tpu.memref_slice %arg2[%dma_start3A_239, %dma_start3A_240] : memref<100000x32xf32, #tpu.memory_space<hbm>> -> memref<100000x32xf32, #tpu.memory_space<hbm>>
      tpu.enqueue_indirect_dma source(%dma_start3A_241 : memref<100000x32xf32, #tpu.memory_space<hbm>>) target(%dma_start3A_235 : memref<128x32xf32, #tpu.memory_space<vmem>>) offsets(%dma_start3A_238 : memref<128xi32, #tpu.memory_space<vmem>>) semaphore(%arg9 : memref<!tpu.dma_semaphore, #tpu.memory_space<semaphore_mem>>)
      %mul3A_242 = arith.constant 10 : i32
      %mul3A_243 = arith.muli %add3A_124, %mul3A_242 : i32
      %add3A_244 = arith.constant 9 : i32
      %add3A_245 = arith.addi %mul3A_243, %add3A_244 : i32
      %dma_start3A_246 = arith.constant 1152 : i32
      %dma_start3A_247 = arith.constant 0 : i32
      %dma_start3A_248 = tpu.memref_slice %arg7[%dma_start3A_246, %dma_start3A_247] : memref<1280x32xf32, #tpu.memory_space<vmem>> -> memref<128x32xf32, #tpu.memory_space<vmem>>
      %dma_start3A_249 = arith.constant 0 : i32
      %dma_start3A_250 = tpu.memref_slice %arg5[%add3A_245, %dma_start3A_249] : memref<200x128xi32, #tpu.memory_space<vmem>> -> memref<1x128xi32, #tpu.memory_space<vmem>>
      %dma_start3A_251 = tpu.memref_squeeze %dma_start3A_250 : memref<1x128xi32, #tpu.memory_space<vmem>> -> memref<128xi32, #tpu.memory_space<vmem>>
      %dma_start3A_252 = arith.constant 0 : i32
      %dma_start3A_253 = arith.constant 0 : i32
      %dma_start3A_254 = tpu.memref_slice %arg2[%dma_start3A_252, %dma_start3A_253] : memref<100000x32xf32, #tpu.memory_space<hbm>> -> memref<100000x32xf32, #tpu.memory_space<hbm>>
      tpu.enqueue_indirect_dma source(%dma_start3A_254 : memref<100000x32xf32, #tpu.memory_space<hbm>>) target(%dma_start3A_248 : memref<128x32xf32, #tpu.memory_space<vmem>>) offsets(%dma_start3A_251 : memref<128xi32, #tpu.memory_space<vmem>>) semaphore(%arg9 : memref<!tpu.dma_semaphore, #tpu.memory_space<semaphore_mem>>)
      %mul3A_255 = arith.constant 25600 : i32
      %mul3A_256 = arith.muli %add3A, %mul3A_255 : i32
      %mul3A_257 = arith.constant 1280 : i32
      %mul3A_258 = arith.muli %mul3A_114, %mul3A_257 : i32
      %add3A_259 = arith.addi %mul3A_256, %mul3A_258 : i32
      %jit3A = arith.constant 51200 : i32
      %div3A = arith.divsi %add3A_259, %jit3A : i32
      %sign3A = arith.constant 0 : i32
      %sign3A_260 = arith.cmpi sgt, %add3A_259, %sign3A : i32
      %sign3A_261 = arith.extui %sign3A_260 : i1 to i32
      %sign3A_262 = arith.constant 0 : i32
      %sign3A_263 = arith.cmpi slt, %add3A_259, %sign3A_262 : i32
      %sign3A_264 = arith.extui %sign3A_263 : i1 to i32
      %sign3A_265 = arith.subi %sign3A_261, %sign3A_264 : i32
      %sign3A_266 = arith.constant 0 : i32
      %sign3A_267 = arith.cmpi sgt, %jit3A, %sign3A_266 : i32
      %sign3A_268 = arith.extui %sign3A_267 : i1 to i32
      %sign3A_269 = arith.constant 0 : i32
      %sign3A_270 = arith.cmpi slt, %jit3A, %sign3A_269 : i32
      %sign3A_271 = arith.extui %sign3A_270 : i1 to i32
      %sign3A_272 = arith.subi %sign3A_268, %sign3A_271 : i32
      %ne3A = arith.cmpi ne, %sign3A_265, %sign3A_272 : i32
      %rem3A = arith.remsi %add3A_259, %jit3A : i32
      %ne3A_273 = arith.constant 0 : i32
      %ne3A_274 = arith.cmpi ne, %rem3A, %ne3A_273 : i32
      %and3A = arith.andi %ne3A, %ne3A_274 : i1
      %sub3A = arith.constant 1 : i32
      %sub3A_275 = arith.subi %div3A, %sub3A : i32
      %select_n3A = arith.select %and3A, %sub3A_275, %div3A : i32
      %mul3A_276 = arith.constant 51200 : i32
      %mul3A_277 = arith.muli %select_n3A, %mul3A_276 : i32
      %sub3A_278 = arith.subi %add3A_259, %mul3A_277 : i32
      %jit3A_279 = arith.constant 12800 : i32
      %div3A_280 = arith.divsi %sub3A_278, %jit3A_279 : i32
      %sign3A_281 = arith.constant 0 : i32
      %sign3A_282 = arith.cmpi sgt, %sub3A_278, %sign3A_281 : i32
      %sign3A_283 = arith.extui %sign3A_282 : i1 to i32
      %sign3A_284 = arith.constant 0 : i32
      %sign3A_285 = arith.cmpi slt, %sub3A_278, %sign3A_284 : i32
      %sign3A_286 = arith.extui %sign3A_285 : i1 to i32
      %sign3A_287 = arith.subi %sign3A_283, %sign3A_286 : i32
      %sign3A_288 = arith.constant 0 : i32
      %sign3A_289 = arith.cmpi sgt, %jit3A_279, %sign3A_288 : i32
      %sign3A_290 = arith.extui %sign3A_289 : i1 to i32
      %sign3A_291 = arith.constant 0 : i32
      %sign3A_292 = arith.cmpi slt, %jit3A_279, %sign3A_291 : i32
      %sign3A_293 = arith.extui %sign3A_292 : i1 to i32
      %sign3A_294 = arith.subi %sign3A_290, %sign3A_293 : i32
      %ne3A_295 = arith.cmpi ne, %sign3A_287, %sign3A_294 : i32
      %rem3A_296 = arith.remsi %sub3A_278, %jit3A_279 : i32
      %ne3A_297 = arith.constant 0 : i32
      %ne3A_298 = arith.cmpi ne, %rem3A_296, %ne3A_297 : i32
      %and3A_299 = arith.andi %ne3A_295, %ne3A_298 : i1
      %sub3A_300 = arith.constant 1 : i32
      %sub3A_301 = arith.subi %div3A_280, %sub3A_300 : i32
      %select_n3A_302 = arith.select %and3A_299, %sub3A_301, %div3A_280 : i32
      %mul3A_303 = arith.constant 12800 : i32
      %mul3A_304 = arith.muli %select_n3A_302, %mul3A_303 : i32
      %sub3A_305 = arith.subi %sub3A_278, %mul3A_304 : i32
      %mul3A_306 = arith.constant 12800 : i32
      %mul3A_307 = arith.muli %select_n3A, %mul3A_306 : i32
      %add3A_308 = arith.addi %mul3A_307, %sub3A_305 : i32
      %mul3A_309 = arith.constant 32 : i32
      %mul3A_310 = arith.muli %select_n3A_302, %mul3A_309 : i32
      %dma_start3A_311 = tpu.memref_slice %arg4[%add3A_308, %mul3A_310] : memref<204800x128xf32, #tpu.memory_space<hbm>> -> memref<1280x32xf32, #tpu.memory_space<hbm>>
      %dma_start3A_312 = tpu.memref_slice %arg4[%add3A_308, %mul3A_310] : memref<204800x128xf32, #tpu.memory_space<hbm>> -> memref<1280x32xf32, #tpu.memory_space<hbm>>
      tpu.enqueue_dma source(%arg6 : memref<1280x32xf32, #tpu.memory_space<vmem>>) target(%dma_start3A_312 : memref<1280x32xf32, #tpu.memory_space<hbm>>) target_semaphore(%arg10 : memref<!tpu.dma_semaphore, #tpu.memory_space<semaphore_mem>>)
      %dma_wait3A_313 = arith.constant 0 : i32
      %dma_wait3A_314 = arith.constant 0 : i32
      %dma_wait3A_315 = tpu.memref_slice %arg2[%dma_wait3A_313, %dma_wait3A_314] : memref<100000x32xf32, #tpu.memory_space<hbm>> -> memref<1280x32xf32, #tpu.memory_space<hbm>>
      %dma_wait3A_316 = arith.constant 0 : i32
      %dma_wait3A_317 = arith.constant 0 : i32
      %dma_wait3A_318 = tpu.memref_slice %arg2[%dma_wait3A_316, %dma_wait3A_317] : memref<100000x32xf32, #tpu.memory_space<hbm>> -> memref<1280x32xf32, #tpu.memory_space<hbm>>
      tpu.wait_dma2 semaphore(%arg9 : memref<!tpu.dma_semaphore, #tpu.memory_space<semaphore_mem>>) src(%dma_wait3A_318 : memref<1280x32xf32, #tpu.memory_space<hbm>>) dst(%arg7 : memref<1280x32xf32, #tpu.memory_space<vmem>>)
      %dma_wait3A_319 = arith.constant 0 : i32
      %dma_wait3A_320 = arith.constant 0 : i32
      %dma_wait3A_321 = tpu.memref_slice %arg4[%dma_wait3A_319, %dma_wait3A_320] : memref<204800x128xf32, #tpu.memory_space<hbm>> -> memref<1280x32xf32, #tpu.memory_space<hbm>>
      %dma_wait3A_322 = arith.constant 0 : i32
      %dma_wait3A_323 = arith.constant 0 : i32
      %dma_wait3A_324 = tpu.memref_slice %arg4[%dma_wait3A_322, %dma_wait3A_323] : memref<204800x128xf32, #tpu.memory_space<hbm>> -> memref<1280x32xf32, #tpu.memory_space<hbm>>
      tpu.wait_dma2 semaphore(%arg10 : memref<!tpu.dma_semaphore, #tpu.memory_space<semaphore_mem>>) src(%arg6 : memref<1280x32xf32, #tpu.memory_space<vmem>>) dst(%dma_wait3A_324 : memref<1280x32xf32, #tpu.memory_space<hbm>>)
      %lt3A = arith.constant 9 : i32
      %lt3A_325 = arith.cmpi slt, %scan3A_112, %lt3A : i32
      %convert_element_type3A_326 = arith.extui %lt3A_325 : i1 to i32
      %cond3A_327 = arith.constant 0 : i32
      %cond3A_328 = arith.cmpi ne, %convert_element_type3A_326, %cond3A_327 : i32
      scf.if %cond3A_328 {
        %add3A_397 = arith.constant 2 : i32
        %add3A_398 = arith.addi %mul3A_114, %add3A_397 : i32
        %mul3A_399 = arith.constant 10 : i32
        %mul3A_400 = arith.muli %add3A_398, %mul3A_399 : i32
        %add3A_401 = arith.constant 0 : i32
        %add3A_402 = arith.addi %mul3A_400, %add3A_401 : i32
        %dma_start3A_403 = arith.constant 0 : i32
        %dma_start3A_404 = arith.constant 0 : i32
        %dma_start3A_405 = tpu.memref_slice %arg6[%dma_start3A_403, %dma_start3A_404] : memref<1280x32xf32, #tpu.memory_space<vmem>> -> memref<128x32xf32, #tpu.memory_space<vmem>>
        %dma_start3A_406 = arith.constant 0 : i32
        %dma_start3A_407 = tpu.memref_slice %arg5[%add3A_402, %dma_start3A_406] : memref<200x128xi32, #tpu.memory_space<vmem>> -> memref<1x128xi32, #tpu.memory_space<vmem>>
        %dma_start3A_408 = tpu.memref_squeeze %dma_start3A_407 : memref<1x128xi32, #tpu.memory_space<vmem>> -> memref<128xi32, #tpu.memory_space<vmem>>
        %dma_start3A_409 = arith.constant 0 : i32
        %dma_start3A_410 = arith.constant 0 : i32
        %dma_start3A_411 = tpu.memref_slice %arg2[%dma_start3A_409, %dma_start3A_410] : memref<100000x32xf32, #tpu.memory_space<hbm>> -> memref<100000x32xf32, #tpu.memory_space<hbm>>
        tpu.enqueue_indirect_dma source(%dma_start3A_411 : memref<100000x32xf32, #tpu.memory_space<hbm>>) target(%dma_start3A_405 : memref<128x32xf32, #tpu.memory_space<vmem>>) offsets(%dma_start3A_408 : memref<128xi32, #tpu.memory_space<vmem>>) semaphore(%arg8 : memref<!tpu.dma_semaphore, #tpu.memory_space<semaphore_mem>>)
        %mul3A_412 = arith.constant 10 : i32
        %mul3A_413 = arith.muli %add3A_398, %mul3A_412 : i32
        %add3A_414 = arith.constant 1 : i32
        %add3A_415 = arith.addi %mul3A_413, %add3A_414 : i32
        %dma_start3A_416 = arith.constant 128 : i32
        %dma_start3A_417 = arith.constant 0 : i32
        %dma_start3A_418 = tpu.memref_slice %arg6[%dma_start3A_416, %dma_start3A_417] : memref<1280x32xf32, #tpu.memory_space<vmem>> -> memref<128x32xf32, #tpu.memory_space<vmem>>
        %dma_start3A_419 = arith.constant 0 : i32
        %dma_start3A_420 = tpu.memref_slice %arg5[%add3A_415, %dma_start3A_419] : memref<200x128xi32, #tpu.memory_space<vmem>> -> memref<1x128xi32, #tpu.memory_space<vmem>>
        %dma_start3A_421 = tpu.memref_squeeze %dma_start3A_420 : memref<1x128xi32, #tpu.memory_space<vmem>> -> memref<128xi32, #tpu.memory_space<vmem>>
        %dma_start3A_422 = arith.constant 0 : i32
        %dma_start3A_423 = arith.constant 0 : i32
        %dma_start3A_424 = tpu.memref_slice %arg2[%dma_start3A_422, %dma_start3A_423] : memref<100000x32xf32, #tpu.memory_space<hbm>> -> memref<100000x32xf32, #tpu.memory_space<hbm>>
        tpu.enqueue_indirect_dma source(%dma_start3A_424 : memref<100000x32xf32, #tpu.memory_space<hbm>>) target(%dma_start3A_418 : memref<128x32xf32, #tpu.memory_space<vmem>>) offsets(%dma_start3A_421 : memref<128xi32, #tpu.memory_space<vmem>>) semaphore(%arg8 : memref<!tpu.dma_semaphore, #tpu.memory_space<semaphore_mem>>)
        %mul3A_425 = arith.constant 10 : i32
        %mul3A_426 = arith.muli %add3A_398, %mul3A_425 : i32
        %add3A_427 = arith.constant 2 : i32
        %add3A_428 = arith.addi %mul3A_426, %add3A_427 : i32
        %dma_start3A_429 = arith.constant 256 : i32
        %dma_start3A_430 = arith.constant 0 : i32
        %dma_start3A_431 = tpu.memref_slice %arg6[%dma_start3A_429, %dma_start3A_430] : memref<1280x32xf32, #tpu.memory_space<vmem>> -> memref<128x32xf32, #tpu.memory_space<vmem>>
        %dma_start3A_432 = arith.constant 0 : i32
        %dma_start3A_433 = tpu.memref_slice %arg5[%add3A_428, %dma_start3A_432] : memref<200x128xi32, #tpu.memory_space<vmem>> -> memref<1x128xi32, #tpu.memory_space<vmem>>
        %dma_start3A_434 = tpu.memref_squeeze %dma_start3A_433 : memref<1x128xi32, #tpu.memory_space<vmem>> -> memref<128xi32, #tpu.memory_space<vmem>>
        %dma_start3A_435 = arith.constant 0 : i32
        %dma_start3A_436 = arith.constant 0 : i32
        %dma_start3A_437 = tpu.memref_slice %arg2[%dma_start3A_435, %dma_start3A_436] : memref<100000x32xf32, #tpu.memory_space<hbm>> -> memref<100000x32xf32, #tpu.memory_space<hbm>>
        tpu.enqueue_indirect_dma source(%dma_start3A_437 : memref<100000x32xf32, #tpu.memory_space<hbm>>) target(%dma_start3A_431 : memref<128x32xf32, #tpu.memory_space<vmem>>) offsets(%dma_start3A_434 : memref<128xi32, #tpu.memory_space<vmem>>) semaphore(%arg8 : memref<!tpu.dma_semaphore, #tpu.memory_space<semaphore_mem>>)
        %mul3A_438 = arith.constant 10 : i32
        %mul3A_439 = arith.muli %add3A_398, %mul3A_438 : i32
        %add3A_440 = arith.constant 3 : i32
        %add3A_441 = arith.addi %mul3A_439, %add3A_440 : i32
        %dma_start3A_442 = arith.constant 384 : i32
        %dma_start3A_443 = arith.constant 0 : i32
        %dma_start3A_444 = tpu.memref_slice %arg6[%dma_start3A_442, %dma_start3A_443] : memref<1280x32xf32, #tpu.memory_space<vmem>> -> memref<128x32xf32, #tpu.memory_space<vmem>>
        %dma_start3A_445 = arith.constant 0 : i32
        %dma_start3A_446 = tpu.memref_slice %arg5[%add3A_441, %dma_start3A_445] : memref<200x128xi32, #tpu.memory_space<vmem>> -> memref<1x128xi32, #tpu.memory_space<vmem>>
        %dma_start3A_447 = tpu.memref_squeeze %dma_start3A_446 : memref<1x128xi32, #tpu.memory_space<vmem>> -> memref<128xi32, #tpu.memory_space<vmem>>
        %dma_start3A_448 = arith.constant 0 : i32
        %dma_start3A_449 = arith.constant 0 : i32
        %dma_start3A_450 = tpu.memref_slice %arg2[%dma_start3A_448, %dma_start3A_449] : memref<100000x32xf32, #tpu.memory_space<hbm>> -> memref<100000x32xf32, #tpu.memory_space<hbm>>
        tpu.enqueue_indirect_dma source(%dma_start3A_450 : memref<100000x32xf32, #tpu.memory_space<hbm>>) target(%dma_start3A_444 : memref<128x32xf32, #tpu.memory_space<vmem>>) offsets(%dma_start3A_447 : memref<128xi32, #tpu.memory_space<vmem>>) semaphore(%arg8 : memref<!tpu.dma_semaphore, #tpu.memory_space<semaphore_mem>>)
        %mul3A_451 = arith.constant 10 : i32
        %mul3A_452 = arith.muli %add3A_398, %mul3A_451 : i32
        %add3A_453 = arith.constant 4 : i32
        %add3A_454 = arith.addi %mul3A_452, %add3A_453 : i32
        %dma_start3A_455 = arith.constant 512 : i32
        %dma_start3A_456 = arith.constant 0 : i32
        %dma_start3A_457 = tpu.memref_slice %arg6[%dma_start3A_455, %dma_start3A_456] : memref<1280x32xf32, #tpu.memory_space<vmem>> -> memref<128x32xf32, #tpu.memory_space<vmem>>
        %dma_start3A_458 = arith.constant 0 : i32
        %dma_start3A_459 = tpu.memref_slice %arg5[%add3A_454, %dma_start3A_458] : memref<200x128xi32, #tpu.memory_space<vmem>> -> memref<1x128xi32, #tpu.memory_space<vmem>>
        %dma_start3A_460 = tpu.memref_squeeze %dma_start3A_459 : memref<1x128xi32, #tpu.memory_space<vmem>> -> memref<128xi32, #tpu.memory_space<vmem>>
        %dma_start3A_461 = arith.constant 0 : i32
        %dma_start3A_462 = arith.constant 0 : i32
        %dma_start3A_463 = tpu.memref_slice %arg2[%dma_start3A_461, %dma_start3A_462] : memref<100000x32xf32, #tpu.memory_space<hbm>> -> memref<100000x32xf32, #tpu.memory_space<hbm>>
        tpu.enqueue_indirect_dma source(%dma_start3A_463 : memref<100000x32xf32, #tpu.memory_space<hbm>>) target(%dma_start3A_457 : memref<128x32xf32, #tpu.memory_space<vmem>>) offsets(%dma_start3A_460 : memref<128xi32, #tpu.memory_space<vmem>>) semaphore(%arg8 : memref<!tpu.dma_semaphore, #tpu.memory_space<semaphore_mem>>)
        %mul3A_464 = arith.constant 10 : i32
        %mul3A_465 = arith.muli %add3A_398, %mul3A_464 : i32
        %add3A_466 = arith.constant 5 : i32
        %add3A_467 = arith.addi %mul3A_465, %add3A_466 : i32
        %dma_start3A_468 = arith.constant 640 : i32
        %dma_start3A_469 = arith.constant 0 : i32
        %dma_start3A_470 = tpu.memref_slice %arg6[%dma_start3A_468, %dma_start3A_469] : memref<1280x32xf32, #tpu.memory_space<vmem>> -> memref<128x32xf32, #tpu.memory_space<vmem>>
        %dma_start3A_471 = arith.constant 0 : i32
        %dma_start3A_472 = tpu.memref_slice %arg5[%add3A_467, %dma_start3A_471] : memref<200x128xi32, #tpu.memory_space<vmem>> -> memref<1x128xi32, #tpu.memory_space<vmem>>
        %dma_start3A_473 = tpu.memref_squeeze %dma_start3A_472 : memref<1x128xi32, #tpu.memory_space<vmem>> -> memref<128xi32, #tpu.memory_space<vmem>>
        %dma_start3A_474 = arith.constant 0 : i32
        %dma_start3A_475 = arith.constant 0 : i32
        %dma_start3A_476 = tpu.memref_slice %arg2[%dma_start3A_474, %dma_start3A_475] : memref<100000x32xf32, #tpu.memory_space<hbm>> -> memref<100000x32xf32, #tpu.memory_space<hbm>>
        tpu.enqueue_indirect_dma source(%dma_start3A_476 : memref<100000x32xf32, #tpu.memory_space<hbm>>) target(%dma_start3A_470 : memref<128x32xf32, #tpu.memory_space<vmem>>) offsets(%dma_start3A_473 : memref<128xi32, #tpu.memory_space<vmem>>) semaphore(%arg8 : memref<!tpu.dma_semaphore, #tpu.memory_space<semaphore_mem>>)
        %mul3A_477 = arith.constant 10 : i32
        %mul3A_478 = arith.muli %add3A_398, %mul3A_477 : i32
        %add3A_479 = arith.constant 6 : i32
        %add3A_480 = arith.addi %mul3A_478, %add3A_479 : i32
        %dma_start3A_481 = arith.constant 768 : i32
        %dma_start3A_482 = arith.constant 0 : i32
        %dma_start3A_483 = tpu.memref_slice %arg6[%dma_start3A_481, %dma_start3A_482] : memref<1280x32xf32, #tpu.memory_space<vmem>> -> memref<128x32xf32, #tpu.memory_space<vmem>>
        %dma_start3A_484 = arith.constant 0 : i32
        %dma_start3A_485 = tpu.memref_slice %arg5[%add3A_480, %dma_start3A_484] : memref<200x128xi32, #tpu.memory_space<vmem>> -> memref<1x128xi32, #tpu.memory_space<vmem>>
        %dma_start3A_486 = tpu.memref_squeeze %dma_start3A_485 : memref<1x128xi32, #tpu.memory_space<vmem>> -> memref<128xi32, #tpu.memory_space<vmem>>
        %dma_start3A_487 = arith.constant 0 : i32
        %dma_start3A_488 = arith.constant 0 : i32
        %dma_start3A_489 = tpu.memref_slice %arg2[%dma_start3A_487, %dma_start3A_488] : memref<100000x32xf32, #tpu.memory_space<hbm>> -> memref<100000x32xf32, #tpu.memory_space<hbm>>
        tpu.enqueue_indirect_dma source(%dma_start3A_489 : memref<100000x32xf32, #tpu.memory_space<hbm>>) target(%dma_start3A_483 : memref<128x32xf32, #tpu.memory_space<vmem>>) offsets(%dma_start3A_486 : memref<128xi32, #tpu.memory_space<vmem>>) semaphore(%arg8 : memref<!tpu.dma_semaphore, #tpu.memory_space<semaphore_mem>>)
        %mul3A_490 = arith.constant 10 : i32
        %mul3A_491 = arith.muli %add3A_398, %mul3A_490 : i32
        %add3A_492 = arith.constant 7 : i32
        %add3A_493 = arith.addi %mul3A_491, %add3A_492 : i32
        %dma_start3A_494 = arith.constant 896 : i32
        %dma_start3A_495 = arith.constant 0 : i32
        %dma_start3A_496 = tpu.memref_slice %arg6[%dma_start3A_494, %dma_start3A_495] : memref<1280x32xf32, #tpu.memory_space<vmem>> -> memref<128x32xf32, #tpu.memory_space<vmem>>
        %dma_start3A_497 = arith.constant 0 : i32
        %dma_start3A_498 = tpu.memref_slice %arg5[%add3A_493, %dma_start3A_497] : memref<200x128xi32, #tpu.memory_space<vmem>> -> memref<1x128xi32, #tpu.memory_space<vmem>>
        %dma_start3A_499 = tpu.memref_squeeze %dma_start3A_498 : memref<1x128xi32, #tpu.memory_space<vmem>> -> memref<128xi32, #tpu.memory_space<vmem>>
        %dma_start3A_500 = arith.constant 0 : i32
        %dma_start3A_501 = arith.constant 0 : i32
        %dma_start3A_502 = tpu.memref_slice %arg2[%dma_start3A_500, %dma_start3A_501] : memref<100000x32xf32, #tpu.memory_space<hbm>> -> memref<100000x32xf32, #tpu.memory_space<hbm>>
        tpu.enqueue_indirect_dma source(%dma_start3A_502 : memref<100000x32xf32, #tpu.memory_space<hbm>>) target(%dma_start3A_496 : memref<128x32xf32, #tpu.memory_space<vmem>>) offsets(%dma_start3A_499 : memref<128xi32, #tpu.memory_space<vmem>>) semaphore(%arg8 : memref<!tpu.dma_semaphore, #tpu.memory_space<semaphore_mem>>)
        %mul3A_503 = arith.constant 10 : i32
        %mul3A_504 = arith.muli %add3A_398, %mul3A_503 : i32
        %add3A_505 = arith.constant 8 : i32
        %add3A_506 = arith.addi %mul3A_504, %add3A_505 : i32
        %dma_start3A_507 = arith.constant 1024 : i32
        %dma_start3A_508 = arith.constant 0 : i32
        %dma_start3A_509 = tpu.memref_slice %arg6[%dma_start3A_507, %dma_start3A_508] : memref<1280x32xf32, #tpu.memory_space<vmem>> -> memref<128x32xf32, #tpu.memory_space<vmem>>
        %dma_start3A_510 = arith.constant 0 : i32
        %dma_start3A_511 = tpu.memref_slice %arg5[%add3A_506, %dma_start3A_510] : memref<200x128xi32, #tpu.memory_space<vmem>> -> memref<1x128xi32, #tpu.memory_space<vmem>>
        %dma_start3A_512 = tpu.memref_squeeze %dma_start3A_511 : memref<1x128xi32, #tpu.memory_space<vmem>> -> memref<128xi32, #tpu.memory_space<vmem>>
        %dma_start3A_513 = arith.constant 0 : i32
        %dma_start3A_514 = arith.constant 0 : i32
        %dma_start3A_515 = tpu.memref_slice %arg2[%dma_start3A_513, %dma_start3A_514] : memref<100000x32xf32, #tpu.memory_space<hbm>> -> memref<100000x32xf32, #tpu.memory_space<hbm>>
        tpu.enqueue_indirect_dma source(%dma_start3A_515 : memref<100000x32xf32, #tpu.memory_space<hbm>>) target(%dma_start3A_509 : memref<128x32xf32, #tpu.memory_space<vmem>>) offsets(%dma_start3A_512 : memref<128xi32, #tpu.memory_space<vmem>>) semaphore(%arg8 : memref<!tpu.dma_semaphore, #tpu.memory_space<semaphore_mem>>)
        %mul3A_516 = arith.constant 10 : i32
        %mul3A_517 = arith.muli %add3A_398, %mul3A_516 : i32
        %add3A_518 = arith.constant 9 : i32
        %add3A_519 = arith.addi %mul3A_517, %add3A_518 : i32
        %dma_start3A_520 = arith.constant 1152 : i32
        %dma_start3A_521 = arith.constant 0 : i32
        %dma_start3A_522 = tpu.memref_slice %arg6[%dma_start3A_520, %dma_start3A_521] : memref<1280x32xf32, #tpu.memory_space<vmem>> -> memref<128x32xf32, #tpu.memory_space<vmem>>
        %dma_start3A_523 = arith.constant 0 : i32
        %dma_start3A_524 = tpu.memref_slice %arg5[%add3A_519, %dma_start3A_523] : memref<200x128xi32, #tpu.memory_space<vmem>> -> memref<1x128xi32, #tpu.memory_space<vmem>>
        %dma_start3A_525 = tpu.memref_squeeze %dma_start3A_524 : memref<1x128xi32, #tpu.memory_space<vmem>> -> memref<128xi32, #tpu.memory_space<vmem>>
        %dma_start3A_526 = arith.constant 0 : i32
        %dma_start3A_527 = arith.constant 0 : i32
        %dma_start3A_528 = tpu.memref_slice %arg2[%dma_start3A_526, %dma_start3A_527] : memref<100000x32xf32, #tpu.memory_space<hbm>> -> memref<100000x32xf32, #tpu.memory_space<hbm>>
        tpu.enqueue_indirect_dma source(%dma_start3A_528 : memref<100000x32xf32, #tpu.memory_space<hbm>>) target(%dma_start3A_522 : memref<128x32xf32, #tpu.memory_space<vmem>>) offsets(%dma_start3A_525 : memref<128xi32, #tpu.memory_space<vmem>>) semaphore(%arg8 : memref<!tpu.dma_semaphore, #tpu.memory_space<semaphore_mem>>)
      } else {
      }
      %add3A_329 = arith.constant 1 : i32
      %add3A_330 = arith.addi %mul3A_114, %add3A_329 : i32
      %mul3A_331 = arith.constant 25600 : i32
      %mul3A_332 = arith.muli %add3A, %mul3A_331 : i32
      %mul3A_333 = arith.constant 1280 : i32
      %mul3A_334 = arith.muli %add3A_330, %mul3A_333 : i32
      %add3A_335 = arith.addi %mul3A_332, %mul3A_334 : i32
      %jit3A_336 = arith.constant 51200 : i32
      %div3A_337 = arith.divsi %add3A_335, %jit3A_336 : i32
      %sign3A_338 = arith.constant 0 : i32
      %sign3A_339 = arith.cmpi sgt, %add3A_335, %sign3A_338 : i32
      %sign3A_340 = arith.extui %sign3A_339 : i1 to i32
      %sign3A_341 = arith.constant 0 : i32
      %sign3A_342 = arith.cmpi slt, %add3A_335, %sign3A_341 : i32
      %sign3A_343 = arith.extui %sign3A_342 : i1 to i32
      %sign3A_344 = arith.subi %sign3A_340, %sign3A_343 : i32
      %sign3A_345 = arith.constant 0 : i32
      %sign3A_346 = arith.cmpi sgt, %jit3A_336, %sign3A_345 : i32
      %sign3A_347 = arith.extui %sign3A_346 : i1 to i32
      %sign3A_348 = arith.constant 0 : i32
      %sign3A_349 = arith.cmpi slt, %jit3A_336, %sign3A_348 : i32
      %sign3A_350 = arith.extui %sign3A_349 : i1 to i32
      %sign3A_351 = arith.subi %sign3A_347, %sign3A_350 : i32
      %ne3A_352 = arith.cmpi ne, %sign3A_344, %sign3A_351 : i32
      %rem3A_353 = arith.remsi %add3A_335, %jit3A_336 : i32
      %ne3A_354 = arith.constant 0 : i32
      %ne3A_355 = arith.cmpi ne, %rem3A_353, %ne3A_354 : i32
      %and3A_356 = arith.andi %ne3A_352, %ne3A_355 : i1
      %sub3A_357 = arith.constant 1 : i32
      %sub3A_358 = arith.subi %div3A_337, %sub3A_357 : i32
      %select_n3A_359 = arith.select %and3A_356, %sub3A_358, %div3A_337 : i32
      %mul3A_360 = arith.constant 51200 : i32
      %mul3A_361 = arith.muli %select_n3A_359, %mul3A_360 : i32
      %sub3A_362 = arith.subi %add3A_335, %mul3A_361 : i32
      %jit3A_363 = arith.constant 12800 : i32
      %div3A_364 = arith.divsi %sub3A_362, %jit3A_363 : i32
      %sign3A_365 = arith.constant 0 : i32
      %sign3A_366 = arith.cmpi sgt, %sub3A_362, %sign3A_365 : i32
      %sign3A_367 = arith.extui %sign3A_366 : i1 to i32
      %sign3A_368 = arith.constant 0 : i32
      %sign3A_369 = arith.cmpi slt, %sub3A_362, %sign3A_368 : i32
      %sign3A_370 = arith.extui %sign3A_369 : i1 to i32
      %sign3A_371 = arith.subi %sign3A_367, %sign3A_370 : i32
      %sign3A_372 = arith.constant 0 : i32
      %sign3A_373 = arith.cmpi sgt, %jit3A_363, %sign3A_372 : i32
      %sign3A_374 = arith.extui %sign3A_373 : i1 to i32
      %sign3A_375 = arith.constant 0 : i32
      %sign3A_376 = arith.cmpi slt, %jit3A_363, %sign3A_375 : i32
      %sign3A_377 = arith.extui %sign3A_376 : i1 to i32
      %sign3A_378 = arith.subi %sign3A_374, %sign3A_377 : i32
      %ne3A_379 = arith.cmpi ne, %sign3A_371, %sign3A_378 : i32
      %rem3A_380 = arith.remsi %sub3A_362, %jit3A_363 : i32
      %ne3A_381 = arith.constant 0 : i32
      %ne3A_382 = arith.cmpi ne, %rem3A_380, %ne3A_381 : i32
      %and3A_383 = arith.andi %ne3A_379, %ne3A_382 : i1
      %sub3A_384 = arith.constant 1 : i32
      %sub3A_385 = arith.subi %div3A_364, %sub3A_384 : i32
      %select_n3A_386 = arith.select %and3A_383, %sub3A_385, %div3A_364 : i32
      %mul3A_387 = arith.constant 12800 : i32
      %mul3A_388 = arith.muli %select_n3A_386, %mul3A_387 : i32
      %sub3A_389 = arith.subi %sub3A_362, %mul3A_388 : i32
      %mul3A_390 = arith.constant 12800 : i32
      %mul3A_391 = arith.muli %select_n3A_359, %mul3A_390 : i32
      %add3A_392 = arith.addi %mul3A_391, %sub3A_389 : i32
      %mul3A_393 = arith.constant 32 : i32
      %mul3A_394 = arith.muli %select_n3A_386, %mul3A_393 : i32
      %dma_start3A_395 = tpu.memref_slice %arg4[%add3A_392, %mul3A_394] : memref<204800x128xf32, #tpu.memory_space<hbm>> -> memref<1280x32xf32, #tpu.memory_space<hbm>>
      %dma_start3A_396 = tpu.memref_slice %arg4[%add3A_392, %mul3A_394] : memref<204800x128xf32, #tpu.memory_space<hbm>> -> memref<1280x32xf32, #tpu.memory_space<hbm>>
      tpu.enqueue_dma source(%arg7 : memref<1280x32xf32, #tpu.memory_space<vmem>>) target(%dma_start3A_396 : memref<1280x32xf32, #tpu.memory_space<hbm>>) target_semaphore(%arg11 : memref<!tpu.dma_semaphore, #tpu.memory_space<semaphore_mem>>)
    }
    %scan3A_106 = arith.constant 10 : i32
    %dma_wait3A = arith.constant 0 : i32
    %dma_wait3A_107 = arith.constant 0 : i32
    %dma_wait3A_108 = tpu.memref_slice %arg4[%dma_wait3A, %dma_wait3A_107] : memref<204800x128xf32, #tpu.memory_space<hbm>> -> memref<1280x32xf32, #tpu.memory_space<hbm>>
    %dma_wait3A_109 = arith.constant 0 : i32
    %dma_wait3A_110 = arith.constant 0 : i32
    %dma_wait3A_111 = tpu.memref_slice %arg4[%dma_wait3A_109, %dma_wait3A_110] : memref<204800x128xf32, #tpu.memory_space<hbm>> -> memref<1280x32xf32, #tpu.memory_space<hbm>>
    tpu.wait_dma2 semaphore(%arg11 : memref<!tpu.dma_semaphore, #tpu.memory_space<semaphore_mem>>) src(%arg7 : memref<1280x32xf32, #tpu.memory_space<vmem>>) dst(%dma_wait3A_111 : memref<1280x32xf32, #tpu.memory_space<hbm>>)
    return
  }
}

module attributes {stable_mosaic.version = 14 : i64} {
  func.func @_table_body(%arg0: memref<12500x512xf32, #tpu.memory_space<vmem>>, %arg1: memref<512x256xf32, #tpu.memory_space<vmem>>, %arg2: memref<1x256xf32, #tpu.memory_space<vmem>>, %arg3: memref<12500x256xf32, #tpu.memory_space<vmem>>) attributes {dimension_semantics = [], scalar_prefetch = 0 : i64, scratch_operands = 0 : i64, tpu.core_type = #tpu.core_type<tc>} {
    %get3A = arith.constant 0 : index
    %get3A_0 = arith.constant 0 : index
    %get3A_1 = vector.load %arg0[%get3A, %get3A_0] : memref<12500x512xf32, #tpu.memory_space<vmem>>, vector<12500x512xf32>
    %get3A_2 = arith.constant 0 : index
    %get3A_3 = arith.constant 0 : index
    %get3A_4 = vector.load %arg1[%get3A_2, %get3A_3] : memref<512x256xf32, #tpu.memory_space<vmem>>, vector<512x256xf32>
    %dot_general3A = arith.constant dense<0.000000e+00> : vector<12500x256xf32>
    %dot_general3A_5 = tpu.matmul %get3A_1, %get3A_4, %dot_general3A {dimension_numbers = #tpu.dot_dimension_numbers<[1], [0], [0], [1], [0, 0, 1, 1], [], []>, transpose_lhs_hint = false} : vector<12500x512xf32>, vector<512x256xf32>, vector<12500x256xf32> -> vector<12500x256xf32>
    %get3A_6 = arith.constant 0 : index
    %get3A_7 = arith.constant 0 : index
    %get3A_8 = vector.load %arg2[%get3A_6, %get3A_7] : memref<1x256xf32, #tpu.memory_space<vmem>>, vector<1x256xf32>
    %add3A = vector.broadcast %get3A_8 : vector<1x256xf32> to vector<12500x256xf32>
    %add3A_9 = arith.addf %dot_general3A_5, %add3A : vector<12500x256xf32>
    %logistic3A = arith.negf %add3A_9 : vector<12500x256xf32>
    %logistic3A_10 = math.exp %logistic3A : vector<12500x256xf32>
    %logistic3A_11 = arith.constant 1.000000e+00 : f32
    %logistic3A_12 = vector.broadcast %logistic3A_11 : f32 to vector<12500x256xf32>
    %logistic3A_13 = arith.addf %logistic3A_12, %logistic3A_10 : vector<12500x256xf32>
    %logistic3A_14 = arith.divf %logistic3A_12, %logistic3A_13 : vector<12500x256xf32>
    %swap3A = arith.constant 0 : index
    %swap3A_15 = arith.constant 0 : index
    %swap3A_16 = vector.load %arg3[%swap3A, %swap3A_15] : memref<12500x256xf32, #tpu.memory_space<vmem>>, vector<12500x256xf32>
    tpu.vector_store %arg3[%swap3A, %swap3A_15], %logistic3A_14 {strides = array<i32>} : memref<12500x256xf32, #tpu.memory_space<vmem>>, vector<12500x256xf32>,
    return
  }
}

module attributes {stable_mosaic.version = 14 : i64} {
  func.func @_compact_body(%arg0: i32, %arg1: memref<12800x128xf32, #tpu.memory_space<vmem>>, %arg2: memref<20x50x1024xf32, #tpu.memory_space<vmem>>) attributes {dimension_semantics = [#tpu.dimension_semantics<arbitrary>], iteration_bounds = array<i64: 16>, scalar_prefetch = 0 : i64, scratch_operands = 0 : i64, tpu.core_type = #tpu.core_type<tc>, window_params = [{transform_indices = @transform_0, window_bounds = array<i64: 12800, 128>}, {transform_indices = @transform_1, window_bounds = array<i64: 20, 50, 1024>}]} {
    %get3A = arith.constant 0 : index
    %get3A_0 = arith.constant 0 : index
    %get3A_1 = vector.load %arg1[%get3A, %get3A_0] : memref<12800x128xf32, #tpu.memory_space<vmem>>, vector<12800x128xf32>
    %transpose3A = tpu.transpose %get3A_1, [1, 0] : vector<12800x128xf32> -> vector<128x12800xf32>
    %slice3A = vector.extract_strided_slice %transpose3A {offsets = [0, 0], sizes = [20, 12800], strides = [1, 1]} : vector<128x12800xf32> to vector<20x12800xf32>
    %reshape3A = vector.shape_cast %slice3A : vector<20x12800xf32> to vector<20x50x256xf32>
    %slice3A_2 = vector.extract_strided_slice %transpose3A {offsets = [32, 0], sizes = [20, 12800], strides = [1, 1]} : vector<128x12800xf32> to vector<20x12800xf32>
    %reshape3A_3 = vector.shape_cast %slice3A_2 : vector<20x12800xf32> to vector<20x50x256xf32>
    %slice3A_4 = vector.extract_strided_slice %transpose3A {offsets = [64, 0], sizes = [20, 12800], strides = [1, 1]} : vector<128x12800xf32> to vector<20x12800xf32>
    %reshape3A_5 = vector.shape_cast %slice3A_4 : vector<20x12800xf32> to vector<20x50x256xf32>
    %slice3A_6 = vector.extract_strided_slice %transpose3A {offsets = [96, 0], sizes = [20, 12800], strides = [1, 1]} : vector<128x12800xf32> to vector<20x12800xf32>
    %reshape3A_7 = vector.shape_cast %slice3A_6 : vector<20x12800xf32> to vector<20x50x256xf32>
    %concatenate3A = tpu.concatenate %reshape3A, %reshape3A_3, %reshape3A_5, %reshape3A_7 in 2 : vector<20x50x256xf32>, vector<20x50x256xf32>, vector<20x50x256xf32>, vector<20x50x256xf32> -> vector<20x50x1024xf32>
    %swap3A = arith.constant 0 : index
    %swap3A_8 = arith.constant 0 : index
    %swap3A_9 = arith.constant 0 : index
    %swap3A_10 = vector.load %arg2[%swap3A, %swap3A_8, %swap3A_9] : memref<20x50x1024xf32, #tpu.memory_space<vmem>>, vector<20x50x1024xf32>
    tpu.vector_store %arg2[%swap3A, %swap3A_8, %swap3A_9], %concatenate3A {strides = array<i32>} : memref<20x50x1024xf32, #tpu.memory_space<vmem>>, vector<20x50x1024xf32>,
    return
  }
  func.func @transform_0(%arg0: i32) -> (i32, i32) {
    %c0_i32 = arith.constant 0 : i32
    %c0_i32_0 = arith.constant 0 : i32
    return %arg0, %c0_i32 : i32, i32
  }
  func.func @transform_1(%arg0: i32) -> (i32, i32, i32) {
    %c0_i32 = arith.constant 0 : i32
    %c0_i32_0 = arith.constant 0 : i32
    %c0_i32_1 = arith.constant 0 : i32
    return %c0_i32, %c0_i32_0, %arg0 : i32, i32, i32
  }
}

</mosaic_0001>

<sc_bundles>
// kernel: kernel.5.cloned.1.call-start
scs
__scs_entry_jumppad:
0x0: {  	(pc) =	sbr.rel $0x88, $3  }
0x1: {  	(tag) =	ssettag $0x0;
	lr =	simm.s32 $0x1  }
0x2: {  	[smem:$0x3F9D] =	sst lr;
	_ =	strace $0xD0000000  }
0x3: {  	_ = 	snop  }
0x4: {  	_ = 	snop  }
0x5: {  	_ = 	snop  }
0x6: {  	_ = 	snop  }
0x7: {  	_ = 	snop  }
__scs_overlays_trampoline_lowered:
0x8: {  	[smem:$0x3FAC] =	sst s0  }
0x9: {  	[smem:$0x3FAD] =	sst s1  }
0xa: {  	[smem:$0x3FAE] =	sst s2  }
0xb: {  	[smem:$0x3FAF] =	sst s3  }
0xc: {  	[smem:$0x3FB0] =	sst s4  }
0xd: {  	[smem:$0x3FB1] =	sst s5  }
0xe: {  	[smem:$0x3FB2] =	sst s6  }
0xf: {  	[smem:$0x3FB3] =	sst s7  }
0x10: {  	[smem:$0x3FB4] =	sst s8  }
0x11: {  	[smem:$0x3FB5] =	sst s9;
	s0 =	simm.s32 @!p0 $0x0  }
0x12: {  	s1 =	sld [smem:$0x3F9B];
	s0 =	simm.s32 @p0 $0x1  }
0x13: {  	[smem:$0x3FB6] =	sst s0;
	s0 =	simm.s32 @!p1 $0x0  }
0x14: {  	s2 =	sld [smem:$0x3F9A];
	s0 =	simm.s32 @p1 $0x1  }
0x15: {  	[smem:$0x3FB7] =	sst s0;
	s0 =	simm.s32 @!p2 $0x0  }
0x16: {  	s3 =	sld [smem:$0x3FDB];
	s0 =	simm.s32 @p2 $0x1  }
0x17: {  	s4 =	simm.s32 $0x1BF5;
	[smem:$0x3FB9] =	sst s0  }
0x18: {  	s0 =	sld [smem:$0x3F9C];
	_ =	swait.ge [sflag:s4], $0x0  }
0x19: {  	s7 =	sld [smem:$0x3F9D]  }
0x1a: {  	s8 =	sadd.s32 $0xFFFFE003, lr  }
0x1b: {  	s9 =	sadd.s32 $0xFFFFFEF7, lr;
	s5 =	simm.s32 $0xFFFFFFFF;
	p2 =	slt.u32 s8, $0xFFFFF086  }
0x1c: {  	p1 =	slt.u32 s9, $0xF7A;
	s5 =	simm.s32 @!p2 $0x0  }
0x1d: {  	s5 =	simm.s32 @p1 $0x1;
	p0 =	seq.s32 s7, s2  }
0x1e: {  	s7 =	smul.u32 @!p0 $0xF7A, s2;
	p2 =	seq.s32 @!p0 s5, $0x0  }
0x1f: {  	s9 =	smul.u32 $0xF7A, s1;
	s8 =	simm.s32 @!p0 $0x1BF5;
	p2 =	por !p2, p0  }
0x20: {  	[sflag:s8] =	ssyncset.s32 @!p0 $0xFFFFF086;
	s6 =	sadd.s32 @!p0 s3, s7;
	s7 =	simm.s32 @!p0 $0x108  }
0x21: {  	s3 =	sadd.s32 s3, s9;
	s6 =	sadd.s32 @!p0 $0x88, s6;
	s7 =	simm.s32 @p2 $0x1082  }
0x22: {  	[simem:s7], [sflag:s8] =	dma.local @!p0 [hbm:s6], $0xF7A  }
0x23: {  	s9 =	sor.u32 $0xD0000000, s2;
	s6 =	simm.s32 $0x108;
	_ =	swait.ge @!p0 [sflag:s8], $0x0  }
0x24: {  	s3 =	sadd.s32 $0x88, s3;
	s6 =	simm.s32 @!p1 $0x1082;
	[sflag:s4] =	ssyncset.s32 $0xFFFFF086  }
0x25: {  	[simem:s6], [sflag:s4] =	dma.local [hbm:s3], $0xF7A  }
0x26: {  	[smem:$0x3F9D] =	sst s1;
	(tag) =	ssettag s2;
	_ =	strace s9  }
0x27: {  	s1 =	sld [smem:$0x3FAD]  }
0x28: {  	s2 =	sld [smem:$0x3FAE]  }
0x29: {  	s4 =	sld [smem:$0x3FB0]  }
0x2a: {  	p0 =	seq.s32 s5, $0x0;
	s5 =	sld [smem:$0x3FB1]  }
0x2b: {  	s6 =	sld [smem:$0x3FB2]  }
0x2c: {  	s7 =	sld [smem:$0x3FB3]  }
0x2d: {  	s3 =	simm.s32 $0x108;
	s8 =	sld [smem:$0x3FB4]  }
0x2e: {  	s3 =	simm.s32 @!p0 $0x1082;
	s9 =	sld [smem:$0x3FB5]  }
0x2f: {  	lr =	sadd.s32 s0, s3;
	s0 =	sld [smem:$0x3FAC]  }
0x30: {  	s3 =	sld [smem:$0x3FAF]  }
0x31: {  	[smem:$0x3FB8] =	sst s10  }
0x32: {  	s10 =	sld [smem:$0x3FB6];
	_ =	sdelay $0x3  }
0x33: {  	p0 =	seq.s32 s10, $0x1;
	s10 =	sld [smem:$0x3FB8];
	_ =	sdelay $0x3  }
0x34: {  	[smem:$0x3FB8] =	sst s10  }
0x35: {  	s10 =	sld [smem:$0x3FB7];
	_ =	sdelay $0x3  }
0x36: {  	p1 =	seq.s32 s10, $0x1;
	s10 =	sld [smem:$0x3FB8];
	_ =	sdelay $0x3  }
0x37: {  	[smem:$0x3FB8] =	sst s10  }
0x38: {  	s10 =	sld [smem:$0x3FB9]  }
0x39: {  	_ = 	snop;
	(pc) =	sbr.ind lr, $3  }
0x3a: {  	_ = 	snop  }
0x3b: {  	_ = 	snop  }
0x3c: {  	p2 =	seq.s32 s10, $0x1;
	s10 =	sld [smem:$0x3FB8]  }
0x3d: {  	_ =	shalt  }
0x3e: {  	_ =	shalt  }
0x3f: {  	_ =	shalt  }
0x40: {  	_ =	shalt  }
0x41: {  	_ =	shalt  }
0x42: {  	_ =	shalt  }
0x43: {  	_ =	shalt  }
0x44: {  	_ =	shalt  }
0x45: {  	_ =	shalt  }
0x46: {  	_ =	shalt  }
0x47: {  	_ =	shalt  }
0x48: {  	_ =	shalt  }
0x49: {  	_ =	shalt  }
0x4a: {  	_ =	shalt  }
0x4b: {  	_ =	shalt  }
0x4c: {  	_ =	shalt  }
0x4d: {  	_ =	shalt  }
0x4e: {  	_ =	shalt  }
0x4f: {  	_ =	shalt  }
0x50: {  	_ =	shalt  }
0x51: {  	_ =	shalt  }
0x52: {  	_ =	shalt  }
0x53: {  	_ =	shalt  }
0x54: {  	_ =	shalt  }
0x55: {  	_ =	shalt  }
0x56: {  	_ =	shalt  }
0x57: {  	_ =	shalt  }
0x58: {  	_ =	shalt  }
0x59: {  	_ =	shalt  }
0x5a: {  	_ =	shalt  }
0x5b: {  	_ =	shalt  }
0x5c: {  	_ =	shalt  }
0x5d: {  	_ =	shalt  }
0x5e: {  	_ =	shalt  }
0x5f: {  	_ =	shalt  }
0x60: {  	_ =	shalt  }
0x61: {  	_ =	shalt  }
0x62: {  	_ =	shalt  }
0x63: {  	_ =	shalt  }
0x64: {  	_ =	shalt  }
0x65: {  	_ =	shalt  }
0x66: {  	_ =	shalt  }
0x67: {  	_ =	shalt  }
0x68: {  	_ =	shalt  }
0x69: {  	_ =	shalt  }
0x6a: {  	_ =	shalt  }
0x6b: {  	_ =	shalt  }
0x6c: {  	_ =	shalt  }
0x6d: {  	_ =	shalt  }
0x6e: {  	_ =	shalt  }
0x6f: {  	_ =	shalt  }
0x70: {  	_ =	shalt  }
0x71: {  	_ =	shalt  }
0x72: {  	_ =	shalt  }
0x73: {  	_ =	shalt  }
0x74: {  	_ =	shalt  }
0x75: {  	_ =	shalt  }
0x76: {  	_ =	shalt  }
0x77: {  	_ =	shalt  }
0x78: {  	_ =	shalt  }
0x79: {  	_ =	shalt  }
0x7a: {  	_ =	shalt  }
0x7b: {  	_ =	shalt  }
0x7c: {  	_ =	shalt  }
0x7d: {  	_ =	shalt  }
0x7e: {  	_ =	shalt  }
0x7f: {  	_ =	shalt  }
0x80: {  	_ =	shalt  }
0x81: {  	_ =	shalt  }
0x82: {  	_ =	shalt  }
0x83: {  	_ =	shalt  }
0x84: {  	_ =	shalt  }
0x85: {  	_ =	shalt  }
0x86: {  	_ =	shalt  }
0x87: {  	_ =	shalt  }
.Lfunc_end0:
.L_simem_size_0:
called_computation_lowered:
.L_overlay_start_0:
0x88: {  	s2 =	sld [smem:$0x3FD9]  }
0x89: {  	s3 =	sld [smem:$0x3FFE];
	_ =	sdelay $0x1  }
0x8a: {  	s1 =	srdreg.scid  }
0x8b: {  	s0 =	sand.u32 $0x1, s1  }
0x8c: {  	s17 =	sshll.u32 s0, $0xA;
	s2 =	sadd.s32 s3, s2  }
0x8d: {  	s2 =	sadd.s32 s2, s17  }
0x8e: {  	[smem:$0x3FC4] =	sst s2  }
0x8f: {  	_ = 	snop  }
0x90: {  	s2 =	sld [smem:$0x3FD0];
	(tm) =	ssettm $0x1  }
0x91: {  	s18 =	sld [smem:$0x3FFB];
	_ =	sdelay $0x3  }
0x92: {  	_ =	strace s18  }
0x93: {  	s3 =	sld [smem:$0x3FFC];
	_ =	sdelay $0x3  }
0x94: {  	_ =	strace s3  }
0x95: {  	s3 =	sld [smem:$0x3FFD];
	_ =	sdelay $0x3  }
0x96: {  	_ =	strace s3  }
0x97: {  	_ =	strace $0x8FFFFFFF  }
0x98: {  	s19 =	sld [smem:$0x3FDB];
	_ =	sdelay $0x1  }
0x99: {  	s4 =	simm.s32 $_scs_section_size  }
0x9a: {  	s5 =	simm.s32 $_size__tile_overlayer_lowered;
	s6 =	simm.s32 $_tile_overlayer_lowered  }
0x9b: {  	s22 =	simm.s32 $0x1BFF;
	s21 =	sshll.u32 s6, $0x1;
	s3 =	sadd.s32 s4, s19  }
0x9c: {  	s7 =	simm.s32 $0x0;
	s20 =	sshll.u32 s5, $0x1;
	s5 =	sadd.s32 s21, s3  }
0x9d: {  	[timem:s7], [sflag:s22] =	dma.local [hbm:s5], s20  }
0x9e: {  	_ =	swait.ge [sflag:s22], s20  }
0x9f: {  	s4 =	ssub.s32 $0x0, s20;
	[sflag:s22] =	ssyncset.done $0x0  }
0xa0: {  	[sflag:s22] =	ssyncadd.s32 s4;
	_ =	sdelay $0x1  }
0xa1: {  	s23 =	simm.s32 $0x1B8B  }
0xa2: {  	_ =	swait.ge [sflag:s23], $0x1  }
0xa3: {  	[sflag:s23] =	ssyncset.done $0x0  }
0xa4: {  	s25 =	simm.s32 $0x1B8E;
	s24 =	sld [smem:$0x3FFE];
	[sflag:s23] =	ssyncadd.s32 $0xFFFFFFFF  }
0xa5: {  	s26 =	simm.s32 $execute0_lowered;
	[smem:$0x3FD2] =	sst s25  }
0xa6: {  	s5 =	sshll.u32 s26, $0x1;
	_ =	strace $0x80000046;
	[dreg:$0x1] =	wrdreg $0xFFFFFFFF  }
0xa7: {  	s28 =	simm.s32 $_size_execute0_lowered;
	s3 =	sadd.s32 s3, s5;
	[dreg:$0x0] =	wrdreg $0x0  }
0xa8: {  	s5 =	sshll.u32 s28, $0x1;
	[dreg:$0x2] =	wrdreg s3  }
0xa9: {  	[dreg:$0x3] =	wrdreg s5  }
0xaa: {  	[dreg:$0x4] =	wrdreg $0xC0  }
0xab: {  	_ =	task [dreg:s7], $0x5FFFF  }
0xac: {  	[dreg:$0x1] =	wrdreg $0xFFFFFFFF  }
0xad: {  	[dreg:$0x0] =	wrdreg $0x60  }
0xae: {  	[dreg:$0x2] =	wrdreg s2  }
0xaf: {  	[dreg:$0x3] =	wrdreg s24  }
0xb0: {  	[dreg:$0x4] =	wrdreg $0x9  }
0xb1: {  	_ =	task.clear_ibuf [dreg:s7], $0x5FFFF;
	_ =	strace $0x90000046  }
0xb2: {  	s29 =	simm.s32 $0x9;
	_ =	strace $0x80000048  }
0xb3: {  	_ =	swait.ge [sflag:s29], $0x1  }
0xb4: {  	[sflag:s29] =	ssyncadd.s32 $0xFFFFFFFF  }
0xb5: {  	_ =	strace $0x90000048  }
0xb6: {  	_ =	sfence  }
0xb7: {  	s30 =	sld [smem:$0x0];
	_ =	sdelay $0x2  }
0xb8: {  	s31 =	sshll.u32 s1, $0xD;
	s1 =	sshrl.u32 s1, $0x2  }
0xb9: {  	s3 =	sand.u32 $0x4000, s31;
	s1 =	sadd.s32 s1, s30  }
0xba: {  	s0 =	sor.u32 s3, s0;
	s1 =	sshll.u32 s1, $0x11  }
0xbb: {  	s0 =	sor.u32 s1, s0  }
0xbc: {  	s0 =	sadd.s32 $0x8F2B, s0  }
0xbd: {  	[sflag:s0] =	ssyncadd.remote.s32 $0x1  }
0xbe: {  	_ =	sfence.sel $0xFFFF  }
0xbf: {  	[dreg:$0x0] =	wrdreg $0xFFFFFFFF;
	(pc) =	sbr.abs _section_cstart, $3  }
0xc0: {  	[dreg:$0x1] =	wrdreg $0xFFFFFFFF  }
0xc1: {  	_ =	task.clear_ibuf [dreg:s7], $0x2FFFF;
	_ =	strace $0x9FFFFFFF  }
0xc2: {  	(tm) =	ssettm $0x7FFFFFFF  }
0xc3: {  	_ =	shalt  }
tec
execute0_lowered:
.L_overlay_start_1:
0x0: {  	(tag) =	ssettag $0x1  }
0x1: {  	s0 =	srdreg.scid;
	s2 =	rddreg [dreg:$0x0]  }
0x2: {  	s4 =	stileid.u32;
	s3 =	rddreg [dreg:$0x1]  }
0x3: {  	s6 =	simm.s32 $0x0;
	s10 =	simm.s32 $0x80;
	s11 =	simm.s32 $0x6400  }
0x4: {  	s20 =	simm.s32 $0x11400;
	s21 =	simm.s32 $0x12400;
	[smem:$0x7FF] =	sst s6  }
0x5: {  	s22 =	simm.s32 $0x13400;
	_ =	strace $0x80000047;
	[dreg:$0x3] =	wrdreg s20  }
0x6: {  	s23 =	simm.s32 $0x14400;
	s24 =	simm.s32 $0x15400;
	[dreg:$0x4] =	wrdreg s21  }
0x7: {  	s25 =	simm.s32 $0x16400;
	s26 =	simm.s32 $0x17400;
	[dreg:$0x5] =	wrdreg s22  }
0x8: {  	s28 =	simm.s32 $0x18400;
	s29 =	simm.s32 $0x19400;
	[dreg:$0x6] =	wrdreg s23  }
0x9: {  	s30 =	simm.s32 $0x1;
	s31 =	simm.s32 $0x10400;
	[dreg:$0x7] =	wrdreg s24  }
0xa: {  	s0 =	sand.u32 $0x1, s0;
	s1 =	sshll.u32 s4, $0x1;
	[dreg:$0x8] =	wrdreg s25  }
0xb: {  	s5 =	smul.u32 $0xC800, s4;
	s1 =	sor.u32 s0, s1;
	[dreg:$0x9] =	wrdreg s26  }
0xc: {  	s17 =	ssub.s32 $0x2, s0;
	s0 =	smul.u32 $0x6400, s0;
	[dreg:$0xa] =	wrdreg s28  }
0xd: {  	s12 =	simm.s32 $0x3;
	[dreg:$0xb] =	wrdreg s29;
	s7 =	sshrl.u32 s17, $0x1  }
0xe: {  	s1 =	smul.u32 $0xC80, s1;
	s18 =	ssub.s32 s17, s7;
	s0 =	sadd.s32 s0, s5  }
0xf: {  	s4 =	sadd.s32 $0x19400, s3;
	s19 =	smax.u32 s18, $0x1;
	[dreg:$0xc] =	wrdreg s0  }
0x10: {  	s1 =	sadd.s32 s1, s3;
	s0 =	sadd.s32 $0x500, s0;
	[dreg:$0xe] =	wrdreg s19  }
0x11: {  	s6 =	simm.s32 $0x0;
	s1 =	sadd.s32 $0x400, s1;
	[dreg:$0xf] =	wrdreg s0  }
0x12: {  	s0 =	simm.s32 $0x2;
	[dreg:$0xd] =	wrdreg s1;
	s1 =	simm.s32 $0x20  }
.LBB2_1:
0x13: {  	[dreg:$0x10] =	wrdreg s6  }
0x14: {  	s3 =	simm.s32 $0x0;
	s5 =	rddreg [dreg:$0xd];
	s26 =	simm.s32 $0x5  }
0x15: {  	[tilespmem:s3], [sflag:$0x5] =	stream.linear.gather [hbm4b:s5+s3], $0x6400, $0x38;
	[tilespmem:$0x1A400] =	vst v63  }
0x16: {  	_ =	swait.ge [sflag:s26], $0x6400  }
0x17: {  	[sflag:s26] =	ssyncset.done $0x0  }
0x18: {  	[sflag:s26] =	ssyncadd.s32 $0xFFFF9C00  }
0x19: {  	[tilespmem:s11], [sflag:$0x1] =	stream.indirect.gather [hbm4b:s2+s10], $0x20, s3, s10, $0xb8;
	[tilespmem:$0x1A400] =	vst v63  }
0x1a: {  	s28 =	simm.s32 $0x7400  }
0x1b: {  	[tilespmem:s28], [sflag:$0x1] =	stream.indirect.gather [hbm4b:s2+s10], $0x20, s10, s10, $0xb8;
	[tilespmem:$0x1A400] =	vst v63  }
0x1c: {  	s6 =	simm.s32 $0x8400;
	s5 =	simm.s32 $0x100  }
0x1d: {  	[tilespmem:s6], [sflag:$0x1] =	stream.indirect.gather [hbm4b:s2+s10], $0x20, s5, s10, $0xb8;
	[tilespmem:$0x1A400] =	vst v63  }
0x1e: {  	s7 =	simm.s32 $0x180;
	s8 =	simm.s32 $0x9400;
	s9 =	simm.s32 $0x200  }
0x1f: {  	[tilespmem:s8], [sflag:$0x1] =	stream.indirect.gather [hbm4b:s2+s10], $0x20, s7, s10, $0xb8;
	[tilespmem:$0x1A400] =	vst v63  }
0x20: {  	s13 =	simm.s32 $0xA400;
	s14 =	simm.s32 $0x280;
	s15 =	simm.s32 $0xB400  }
0x21: {  	[tilespmem:s13], [sflag:$0x1] =	stream.indirect.gather [hbm4b:s2+s10], $0x20, s9, s10, $0xb8;
	[tilespmem:$0x1A400] =	vst v63  }
0x22: {  	s16 =	simm.s32 $0x300;
	s17 =	simm.s32 $0xC400;
	s8 =	rddreg [dreg:$0xc]  }
0x23: {  	[tilespmem:s15], [sflag:$0x1] =	stream.indirect.gather [hbm4b:s2+s10], $0x20, s14, s10, $0xb8;
	[tilespmem:$0x1A400] =	vst v63  }
0x24: {  	s19 =	simm.s32 $0x380;
	s20 =	simm.s32 $0xD400;
	s18 =	smulhi.u32 $0x51EB851F, s8  }
0x25: {  	[tilespmem:s17], [sflag:$0x1] =	stream.indirect.gather [hbm4b:s2+s10], $0x20, s16, s10, $0xb8;
	[tilespmem:$0x1A400] =	vst v63  }
0x26: {  	s22 =	simm.s32 $0x400;
	p0 =	por $0x1, $0x1;
	s3 =	sshrl.u32 s18, $0xE  }
0x27: {  	[tilespmem:s20], [sflag:$0x1] =	stream.indirect.gather [hbm4b:s2+s10], $0x20, s19, s10, $0xb8;
	[tilespmem:$0x1A400] =	vst v63  }
0x28: {  	s7 =	simm.s32 $0xE400;
	s9 =	simm.s32 $0x480;
	s21 =	smul.u32 $0xFFFF3800, s3  }
0x29: {  	[tilespmem:s7], [sflag:$0x1] =	stream.indirect.gather [hbm4b:s2+s10], $0x20, s22, s10, $0xb8;
	[tilespmem:$0x1A400] =	vst v63  }
0x2a: {  	s13 =	simm.s32 $0xF400;
	s18 =	simm.s32 $0x580;
	s5 =	sadd.s32 s21, s8  }
0x2b: {  	[tilespmem:s13], [sflag:$0x1] =	stream.indirect.gather [hbm4b:s2+s10], $0x20, s9, s10, $0xb8;
	[tilespmem:$0x1A400] =	vst v63  }
0x2c: {  	s23 =	smulhi.u32 $0x51EB851F, s5;
	s24 =	sshra.s32 s5, $0x1F;
	_ =	swait.ge [sflag:s30], $0xA000  }
0x2d: {  	s15 =	simm.s32 $0x2800;
	s7 =	smul.u32 $0x51EB851F, s24;
	[sflag:s30] =	ssyncset.done $0x0  }
0x2e: {  	s16 =	simm.s32 $0x500;
	s13 =	simm.s32 @!p0 $0x4;
	[sflag:s30] =	ssyncadd.s32 $0xFFFF6000  }
0x2f: {  	s21 =	simm.s32 $0x600;
	s6 =	sadd.s32 s7, s23;
	_ =	swait.ge @!p0 [sflag:s13], $0xA000  }
0x30: {  	s7 =	sshrl.u32 s6, $0x1F;
	s6 =	sshra.s32 s6, $0xC;
	s26 =	rddreg [dreg:$0x3]  }
0x31: {  	s25 =	ssub.s32 $0x0, s5;
	s6 =	sadd.s32 s7, s6;
	s28 =	rddreg [dreg:$0x4]  }
0x32: {  	p1 =	slt.s32 s5, $0x1;
	s7 =	smul.u32 $0xFFFFCE00, s6;
	s14 =	rddreg [dreg:$0xf]  }
0x33: {  	s19 =	simm.s32 $0x700;
	s9 =	simm.s32 $0x1;
	s20 =	rddreg [dreg:$0x5]  }
0x34: {  	s23 =	simm.s32 $0x680;
	p2 =	sne.s32 s7, s25;
	s22 =	rddreg [dreg:$0x6]  }
0x35: {  	[sflag:s13] =	ssyncset.done @!p0 $0x0;
	s24 =	rddreg [dreg:$0x7];
	p1 =	por !p1, !p2  }
0x36: {  	s25 =	rddreg [dreg:$0x8];
	[sflag:s13] =	ssyncadd.s32 @!p0 $0xFFFF6000;
	p1 =	por !p1, !p1  }
0x37: {  	[tilespmem:s31], [sflag:$0x2] =	stream.indirect.gather [hbm4b:s2+s10], $0x20, s16, s10, $0xb8;
	[tilespmem:$0x1A400] =	vst v63  }
0x38: {  	s17 =	smulhi.u32 $0x51EB851F, s14;
	p0 =	por $0x0, $0x0;
	s9 =	simm.s32 @!p1 $0x0  }
0x39: {  	s16 =	sadd.s32 $0xA00, s8;
	s29 =	simm.s32 @!p0 $0xB00;
	s6 =	ssub.s32 s6, s9  }
0x3a: {  	[tilespmem:s26], [sflag:$0x2] =	stream.indirect.gather [hbm4b:s2+s10], $0x20, s18, s10, $0xb8;
	[tilespmem:$0x1A400] =	vst v63  }
0x3b: {  	s26 =	simm.s32 $0x780;
	s18 =	simm.s32 $0x800;
	s3 =	ssub.s32 s3, s6  }
0x3c: {  	[tilespmem:s28], [sflag:$0x2] =	stream.indirect.gather [hbm4b:s2+s10], $0x20, s21, s10, $0xb8;
	[tilespmem:$0x1A400] =	vst v63  }
0x3d: {  	s9 =	simm.s32 @!p0 $0xA00;
	s6 =	sshll.u32 s6, $0x5;
	s3 =	smul.u32 $0x3200, s3  }
0x3e: {  	[tilespmem:s20], [sflag:$0x2] =	stream.indirect.gather [hbm4b:s2+s10], $0x20, s23, s10, $0xb8;
	[tilespmem:$0x1A400] =	vst v63  }
0x3f: {  	s28 =	rddreg [dreg:$0x9];
	s21 =	simm.s32 $0x880;
	s3 =	sadd.s32 s5, s3  }
0x40: {  	[tilespmem:s22], [sflag:$0x2] =	stream.indirect.gather [hbm4b:s2+s10], $0x20, s19, s10, $0xb8;
	[tilespmem:$0x1A400] =	vst v63  }
0x41: {  	s23 =	simm.s32 @!p0 $0x0;
	s3 =	sshll.u32 s3, $0x7;
	s19 =	rddreg [dreg:$0xa]  }
0x42: {  	s5 =	smov.u32 s8;
	s3 =	sadd.s32 s6, s3;
	s22 =	rddreg [dreg:$0xb]  }
0x43: {  	[tilespmem:s24], [sflag:$0x2] =	stream.indirect.gather [hbm4b:s2+s10], $0x20, s26, s10, $0xb8;
	[tilespmem:$0x1A400] =	vst v63  }
0x44: {  	s3 =	sshrl.u32 s3, $0x3;
	s24 =	sshrl.u32 s17, $0xE;
	s17 =	sadd.s32 $0xA00, s14  }
0x45: {  	[tilespmem:s25], [sflag:$0x2] =	stream.indirect.gather [hbm4b:s2+s10], $0x20, s18, s10, $0xb8;
	[tilespmem:$0x1A400] =	vst v63  }
0x46: {  	s7 =	sadd.s32 s4, s3;
	s3 =	simm.s32 @!p0 $0xA80;
	s26 =	smul.u32 $0xFFFF3800, s24  }
0x47: {  	[tilespmem:s28], [sflag:$0x2] =	stream.indirect.gather [hbm4b:s2+s10], $0x20, s21, s10, $0xb8;
	[tilespmem:$0x1A400] =	vst v63  }
0x48: {  	s20 =	smul.u32 $0xFFFF6A00, s24;
	s25 =	simm.s32 $0x900;
	s28 =	sadd.s32 s26, s8  }
0x49: {  	[tilespmem:s19], [sflag:$0x2] =	stream.indirect.gather [hbm4b:s2+s10], $0x20, s25, s10, $0xb8;
	[tilespmem:$0x1A400] =	vst v63  }
0x4a: {  	s21 =	simm.s32 $0x980;
	s26 =	simm.s32 @!p0 $0xB80;
	s6 =	sadd.s32 $0x500, s28  }
0x4b: {  	[tilespmem:s22], [sflag:$0x2] =	stream.indirect.gather [hbm4b:s2+s10], $0x20, s21, s10, $0xb8;
	[tilespmem:$0x1A400] =	vst v63  }
0x4c: {  	s25 =	simm.s32 @!p0 $0xC00;
	s22 =	simm.s32 @!p0 $0xC80;
	s21 =	simm.s32 @!p0 $0xD00  }
.LBB2_2:
0x4d: {  	[hbm4b:s7+s1] =	stream.strided.scatter [tilespmem:s11], [sflag:$0x3], $0xA000, s10, s1, $0x38;
	[tilespmem:$0x1A400] =	vst v63  }
0x4e: {  	s19 =	smov.u32 s15  }
0x4f: {  	s28 =	sadd.s32 @!p0 $0xD80, s23;
	s24 =	sadd.s32 @!p0 $0xE80, s23;
	s8 =	smulhi.u32 $0x51EB851F, s6  }
0x50: {  	s18 =	sshra.s32 s6, $0x1F;
	s15 =	sadd.s32 $0x2800, s15;
	_ =	swait.ge [sflag:s0], $0xA000  }
0x51: {  	s6 =	sadd.s32 @!p0 $0xE00, s23;
	s23 =	smul.u32 $0x51EB851F, s18;
	[sflag:s0] =	ssyncset.done $0x0  }
0x52: {  	s7 =	simm.s32 @!p0 $0xE400;
	s14 =	simm.s32 @!p0 $0x6400;
	[sflag:s0] =	ssyncadd.s32 $0xFFFF6000  }
0x53: {  	s13 =	simm.s32 @!p0 $0x80;
	s8 =	sadd.s32 s23, s8;
	_ =	swait.ge [sflag:s12], $0xA000  }
0x54: {  	s23 =	sshrl.u32 s8, $0x1F;
	s8 =	sshra.s32 s8, $0xC;
	[sflag:s12] =	ssyncset.done $0x0  }
0x55: {  	s8 =	sadd.s32 s23, s8;
	s23 =	smulhi.u32 $0x51EB851F, s16;
	[sflag:s12] =	ssyncadd.s32 $0xFFFF6000  }
0x56: {  	[tilespmem:s14], [sflag:$0x1] =	stream.indirect.gather @!p0 [hbm4b:s2+s13], $0x20, s9, s13, $0xb8;
	[tilespmem:$0x1A400] =	vst v63  }
0x57: {  	p1 =	sne.s32 s15, $0x19000;
	s9 =	simm.s32 @!p0 $0x7400;
	s23 =	sshrl.u32 s23, $0xE  }
0x58: {  	[tilespmem:s9], [sflag:$0x1] =	stream.indirect.gather @!p0 [hbm4b:s2+s13], $0x20, s3, s13, $0xb8;
	[tilespmem:$0x1A400] =	vst v63  }
0x59: {  	s5 =	sadd.s32 s20, s5;
	s20 =	smul.u32 $0xFFFF3800, s23;
	s3 =	simm.s32 @!p0 $0x8400  }
0x5a: {  	[tilespmem:s3], [sflag:$0x1] =	stream.indirect.gather @!p0 [hbm4b:s2+s13], $0x20, s29, s13, $0xb8;
	[tilespmem:$0x1A400] =	vst v63  }
0x5b: {  	s8 =	sadd.s32 s18, s8;
	s9 =	simm.s32 @!p0 $0x9400;
	s20 =	sadd.s32 s20, s16  }
0x5c: {  	[tilespmem:s9], [sflag:$0x1] =	stream.indirect.gather @!p0 [hbm4b:s2+s13], $0x20, s26, s13, $0xb8;
	[tilespmem:$0x1A400] =	vst v63  }
0x5d: {  	s14 =	simm.s32 @!p0 $0xA400;
	s26 =	smul.u32 $0xFFFFCE00, s8;
	s9 =	sshra.s32 s20, $0x1F  }
0x5e: {  	[tilespmem:s14], [sflag:$0x1] =	stream.indirect.gather @!p0 [hbm4b:s2+s13], $0x20, s25, s13, $0xb8;
	[tilespmem:$0x1A400] =	vst v63  }
0x5f: {  	s18 =	simm.s32 @!p0 $0xB400;
	s9 =	smul.u32 $0x51EB851F, s9;
	s3 =	sadd.s32 s26, s5  }
0x60: {  	s25 =	sshll.u32 s8, $0x5;
	s26 =	smulhi.u32 $0x51EB851F, s20;
	s3 =	sshll.u32 s3, $0x7  }
0x61: {  	[tilespmem:s18], [sflag:$0x1] =	stream.indirect.gather @!p0 [hbm4b:s2+s13], $0x20, s22, s13, $0xb8;
	[tilespmem:$0x1A400] =	vst v63  }
0x62: {  	p2 =	slt.s32 s20, $0x1;
	s14 =	simm.s32 @!p0 $0xC400;
	s3 =	sadd.s32 s25, s3  }
0x63: {  	s5 =	simm.s32 @!p0 $0xD400;
	s8 =	sadd.s32 s9, s26;
	s3 =	sadd.s32 $0x28000, s3  }
0x64: {  	[tilespmem:s14], [sflag:$0x1] =	stream.indirect.gather @!p0 [hbm4b:s2+s13], $0x20, s21, s13, $0xb8;
	[tilespmem:$0x1A400] =	vst v63  }
0x65: {  	s9 =	simm.s32 @!p0 $0xF400;
	s26 =	ssub.s32 $0x0, s20;
	s3 =	sshrl.u32 s3, $0x3  }
0x66: {  	[tilespmem:s5], [sflag:$0x1] =	stream.indirect.gather @!p0 [hbm4b:s2+s13], $0x20, s28, s13, $0xb8;
	[tilespmem:$0x1A400] =	vst v63  }
0x67: {  	s22 =	sshra.s32 s8, $0xC;
	s21 =	sshrl.u32 s8, $0x1F;
	s3 =	sadd.s32 s4, s3  }
0x68: {  	[tilespmem:s7], [sflag:$0x1] =	stream.indirect.gather @!p0 [hbm4b:s2+s13], $0x20, s6, s13, $0xb8;
	[tilespmem:$0x1A400] =	vst v63  }
0x69: {  	s5 =	smov.u32 s16;
	s6 =	sadd.s32 s21, s22;
	s21 =	sshra.s32 s19, $0x2  }
0x6a: {  	[tilespmem:s9], [sflag:$0x1] =	stream.indirect.gather @!p0 [hbm4b:s2+s13], $0x20, s24, s13, $0xb8;
	[tilespmem:$0x1A400] =	vst v63  }
0x6b: {  	s16 =	sadd.s32 $0xA00, s16;
	s25 =	smul.u32 $0xFFFFCE00, s6;
	s18 =	sadd.s32 $0x500, s21  }
0x6c: {  	[hbm4b:s3+s1] =	stream.strided.scatter [tilespmem:s31], [sflag:$0x4], $0xA000, s10, s1, $0x38;
	[tilespmem:$0x1A400] =	vst v63  }
0x6d: {  	s14 =	sadd.s32 $0x700, s21;
	s22 =	sadd.s32 $0x580, s21;
	_ =	swait.ge [sflag:s30], $0xA000  }
0x6e: {  	p0 =	seq.s32 s19, $0x0;
	s13 =	smulhi.u32 $0x51EB851F, s17;
	[sflag:s30] =	ssyncset.done $0x0  }
0x6f: {  	s8 =	simm.s32 @!p0 $0x4;
	p3 =	sne.s32 s25, s26;
	[sflag:s30] =	ssyncadd.s32 $0xFFFF6000  }
0x70: {  	s17 =	sadd.s32 $0xA00, s17;
	p2 =	por !p2, !p3;
	_ =	swait.ge @!p0 [sflag:s8], $0xA000  }
0x71: {  	p2 =	por !p2, !p2;
	[sflag:s8] =	ssyncset.done @!p0 $0x0;
	s28 =	rddreg [dreg:$0x3]  }
0x72: {  	s7 =	rddreg [dreg:$0x4];
	[sflag:s8] =	ssyncadd.s32 @!p0 $0xFFFF6000;
	s8 =	simm.s32 $0x1  }
0x73: {  	s26 =	sadd.s32 $0x600, s21;
	s24 =	rddreg [dreg:$0x5];
	s8 =	simm.s32 @!p2 $0x0  }
0x74: {  	[tilespmem:s31], [sflag:$0x2] =	stream.indirect.gather [hbm4b:s2+s10], $0x20, s18, s10, $0xb8;
	[tilespmem:$0x1A400] =	vst v63  }
0x75: {  	s9 =	rddreg [dreg:$0xa];
	p0 =	seq.s32 s19, $0x16800;
	s6 =	ssub.s32 s6, s8  }
0x76: {  	[tilespmem:s28], [sflag:$0x2] =	stream.indirect.gather [hbm4b:s2+s10], $0x20, s22, s10, $0xb8;
	[tilespmem:$0x1A400] =	vst v63  }
0x77: {  	s8 =	sadd.s32 $0x800, s21;
	s25 =	ssub.s32 s23, s6;
	s28 =	rddreg [dreg:$0x6]  }
0x78: {  	s22 =	sadd.s32 $0x680, s21;
	s23 =	rddreg [dreg:$0x7];
	s18 =	smul.u32 $0x3200, s25  }
0x79: {  	[tilespmem:s7], [sflag:$0x2] =	stream.indirect.gather [hbm4b:s2+s10], $0x20, s26, s10, $0xb8;
	[tilespmem:$0x1A400] =	vst v63  }
0x7a: {  	s6 =	sshll.u32 s6, $0x5;
	s26 =	sadd.s32 $0x780, s21;
	s18 =	sadd.s32 s20, s18  }
0x7b: {  	[tilespmem:s24], [sflag:$0x2] =	stream.indirect.gather [hbm4b:s2+s10], $0x20, s22, s10, $0xb8;
	[tilespmem:$0x1A400] =	vst v63  }
0x7c: {  	s20 =	sadd.s32 $0x880, s21;
	s24 =	rddreg [dreg:$0x8];
	s25 =	sshll.u32 s18, $0x7  }
0x7d: {  	s18 =	rddreg [dreg:$0xb];
	s22 =	sshrl.u32 s13, $0xE;
	s6 =	sadd.s32 s6, s25  }
0x7e: {  	[tilespmem:s28], [sflag:$0x2] =	stream.indirect.gather [hbm4b:s2+s10], $0x20, s14, s10, $0xb8;
	[tilespmem:$0x1A400] =	vst v63  }
0x7f: {  	s13 =	smul.u32 $0xFFFF3800, s22;
	s25 =	sadd.s32 $0x980, s21;
	s6 =	sshrl.u32 s6, $0x3  }
0x80: {  	[tilespmem:s23], [sflag:$0x2] =	stream.indirect.gather [hbm4b:s2+s10], $0x20, s26, s10, $0xb8;
	[tilespmem:$0x1A400] =	vst v63  }
0x81: {  	s28 =	rddreg [dreg:$0x9];
	s7 =	sadd.s32 s4, s6;
	s23 =	sshra.s32 @!p0 s19, $0x2  }
0x82: {  	[tilespmem:s24], [sflag:$0x2] =	stream.indirect.gather [hbm4b:s2+s10], $0x20, s8, s10, $0xb8;
	[tilespmem:$0x1A400] =	vst v63  }
0x83: {  	s3 =	sadd.s32 @!p0 $0xA80, s23;
	s29 =	sadd.s32 @!p0 $0xB00, s23;
	s26 =	sadd.s32 @!p0 $0xB80, s23  }
0x84: {  	[tilespmem:s28], [sflag:$0x2] =	stream.indirect.gather [hbm4b:s2+s10], $0x20, s20, s10, $0xb8;
	[tilespmem:$0x1A400] =	vst v63  }
.Ltmp0:
0x85: {  	s24 =	sadd.s32 $0x900, s21;
	s21 =	sadd.s32 @!p0 $0xD00, s23;
	(pc) =	sbr.rel @p1 .LBB2_2-.Ltmp0, $4  }
0x86: {  	[tilespmem:s9], [sflag:$0x2] =	stream.indirect.gather [hbm4b:s2+s10], $0x20, s24, s10, $0xb8;
	[tilespmem:$0x1A400] =	vst v63  }
0x87: {  	s20 =	smul.u32 $0xFFFF6A00, s22;
	s28 =	sadd.s32 s13, s5;
	s22 =	sadd.s32 @!p0 $0xC80, s23  }
0x88: {  	[tilespmem:s18], [sflag:$0x2] =	stream.indirect.gather [hbm4b:s2+s10], $0x20, s25, s10, $0xb8;
	[tilespmem:$0x1A400] =	vst v63  }
0x89: {  	s6 =	sadd.s32 $0x500, s28;
	s9 =	sadd.s32 @!p0 $0xA00, s23;
	s25 =	sadd.s32 @!p0 $0xC00, s23  }
0x8a: {  	[hbm4b:s7+s1] =	stream.strided.scatter [tilespmem:s11], [sflag:$0x3], $0xA000, s10, s1, $0x38;
	[tilespmem:$0x1A400] =	vst v63  }
0x8b: {  	_ =	swait.ge [sflag:s0], $0xA000  }
0x8c: {  	[sflag:s0] =	ssyncset.done $0x0  }
0x8d: {  	[sflag:s0] =	ssyncadd.s32 $0xFFFF6000  }
0x8e: {  	_ =	swait.ge [sflag:s12], $0xA000  }
0x8f: {  	[sflag:s12] =	ssyncset.done $0x0  }
0x90: {  	s7 =	simm.s32 @!p0 $0x6400;
	s8 =	simm.s32 @!p0 $0x80;
	[sflag:s12] =	ssyncadd.s32 $0xFFFF6000  }
0x91: {  	[tilespmem:s7], [sflag:$0x1] =	stream.indirect.gather @!p0 [hbm4b:s2+s8], $0x20, s9, s8, $0xb8;
	[tilespmem:$0x1A400] =	vst v63  }
0x92: {  	s7 =	simm.s32 @!p0 $0x7400  }
0x93: {  	[tilespmem:s7], [sflag:$0x1] =	stream.indirect.gather @!p0 [hbm4b:s2+s8], $0x20, s3, s8, $0xb8;
	[tilespmem:$0x1A400] =	vst v63  }
0x94: {  	s3 =	simm.s32 @!p0 $0x8400  }
0x95: {  	[tilespmem:s3], [sflag:$0x1] =	stream.indirect.gather @!p0 [hbm4b:s2+s8], $0x20, s29, s8, $0xb8;
	[tilespmem:$0x1A400] =	vst v63  }
0x96: {  	s3 =	simm.s32 @!p0 $0x9400  }
0x97: {  	[tilespmem:s3], [sflag:$0x1] =	stream.indirect.gather @!p0 [hbm4b:s2+s8], $0x20, s26, s8, $0xb8;
	[tilespmem:$0x1A400] =	vst v63  }
0x98: {  	s3 =	simm.s32 @!p0 $0xA400  }
0x99: {  	[tilespmem:s3], [sflag:$0x1] =	stream.indirect.gather @!p0 [hbm4b:s2+s8], $0x20, s25, s8, $0xb8;
	[tilespmem:$0x1A400] =	vst v63  }
0x9a: {  	s3 =	simm.s32 @!p0 $0xB400  }
0x9b: {  	[tilespmem:s3], [sflag:$0x1] =	stream.indirect.gather @!p0 [hbm4b:s2+s8], $0x20, s22, s8, $0xb8;
	[tilespmem:$0x1A400] =	vst v63  }
0x9c: {  	s3 =	simm.s32 @!p0 $0xC400;
	s22 =	sshra.s32 s6, $0x1F  }
0x9d: {  	[tilespmem:s3], [sflag:$0x1] =	stream.indirect.gather @!p0 [hbm4b:s2+s8], $0x20, s21, s8, $0xb8;
	[tilespmem:$0x1A400] =	vst v63  }
0x9e: {  	s9 =	simm.s32 @!p0 $0xD400;
	s24 =	smul.u32 $0x51EB851F, s22;
	s3 =	sadd.s32 @!p0 $0xD80, s23  }
0x9f: {  	[tilespmem:s9], [sflag:$0x1] =	stream.indirect.gather @!p0 [hbm4b:s2+s8], $0x20, s3, s8, $0xb8;
	[tilespmem:$0x1A400] =	vst v63  }
0xa0: {  	s21 =	smulhi.u32 $0x51EB851F, s6;
	s6 =	sadd.s32 @!p0 $0xE00, s23;
	s9 =	simm.s32 @!p0 $0xE400  }
0xa1: {  	[tilespmem:s9], [sflag:$0x1] =	stream.indirect.gather @!p0 [hbm4b:s2+s8], $0x20, s6, s8, $0xb8;
	[tilespmem:$0x1A400] =	vst v63  }
0xa2: {  	s13 =	simm.s32 @!p0 $0xF400;
	s25 =	sadd.s32 s24, s21;
	s6 =	sadd.s32 @!p0 $0xE80, s23  }
0xa3: {  	[tilespmem:s13], [sflag:$0x1] =	stream.indirect.gather @!p0 [hbm4b:s2+s8], $0x20, s6, s8, $0xb8;
	[tilespmem:$0x1A400] =	vst v63  }
0xa4: {  	s7 =	sshrl.u32 s25, $0x1F;
	s6 =	sshra.s32 s25, $0xC  }
0xa5: {  	s6 =	sadd.s32 s7, s6  }
0xa6: {  	s3 =	sadd.s32 s22, s6  }
0xa7: {  	s6 =	smul.u32 $0xFFFFCE00, s3  }
0xa8: {  	s5 =	sadd.s32 s20, s5  }
0xa9: {  	s5 =	sadd.s32 s6, s5  }
0xaa: {  	s3 =	sshll.u32 s3, $0x5;
	s5 =	sshll.u32 s5, $0x7  }
0xab: {  	s3 =	sadd.s32 s3, s5  }
0xac: {  	s3 =	sadd.s32 $0x28000, s3  }
0xad: {  	s3 =	sshrl.u32 s3, $0x3  }
0xae: {  	s26 =	simm.s32 $0x4;
	s3 =	sadd.s32 s4, s3  }
0xaf: {  	[hbm4b:s3+s1] =	stream.strided.scatter [tilespmem:s31], [sflag:$0x4], $0xA000, s10, s1, $0x38;
	[tilespmem:$0x1A400] =	vst v63  }
0xb0: {  	_ =	swait.ge [sflag:s26], $0xA000  }
0xb1: {  	s28 =	rddreg [dreg:$0x10]  }
0xb2: {  	s29 =	rddreg [dreg:$0xe];
	s6 =	sadd.s32 $0x1, s28  }
0xb3: {  	p0 =	sne.s32 s6, s29  }
.Ltmp1:
0xb4: {  	_ = 	snop;
	(pc) =	sbr.rel @p0 .LBB2_1-.Ltmp1, $3  }
0xb5: {  	_ =	sdelay $0x1  }
0xb6: {  	[sflag:s26] =	ssyncset.done $0x0  }
0xb7: {  	[sflag:s26] =	ssyncadd.s32 $0xFFFF6000  }
0xb8: {  	_ =	sfence.sel $0x180000  }
0xb9: {  	[bflag:$0x0] =	sbarrier.arrive $0xFFFF  }
0xba: {  	_ =	strace $0x90000047  }
0xbb: {  	s0 =	stileid.u32;
	[bflag:$0x2] =	sbarrier.arrive $0xFFFF  }
0xbc: {  	p0 =	sne.s32 s0, $0x0;
	s0 =	rddreg [dreg:$0x2]  }
0xbd: {  	s0 =	sadd.s32 @!p0 $0x100000, s0  }
0xbe: {  	[sflag:s0] =	ssyncadd.tile.s32 @!p0 $0x1;
	_ =	shalt  }
.Lfunc_end2:
_tile_overlayer_lowered:
.L_overlay_start_2:
0xbf: {  	(tag) =	ssettag $0x2  }
0xc0: {  	s0 =	rddreg [dreg:$0x0];
	s2 =	stileid.u32  }
0xc1: {  	s1 =	rddreg [dreg:$0x1];
	p0 =	sne.s32 s2, $0x0  }
0xc2: {  	s3 =	rddreg [dreg:$0x2];
	[bflag:$0x3] =	sbarrier.arrive $0xFFFF;
	s2 =	simm.s32 @!p0 $0x1C05  }
0xc3: {  	[timem:s3], [sflag:s2] =	dma.local @!p0 [hbm:s0], s1  }
0xc4: {  	s0 =	simm.s32 @!p0 $0x5  }
0xc5: {  	_ =	swait.ge @!p0 [sflag:s0], s1  }
0xc6: {  	s1 =	ssub.s32 @!p0 $0x0, s1;
	[sflag:s0] =	ssyncset.done @!p0 $0x0  }
0xc7: {  	[sflag:s0] =	ssyncadd.s32 @!p0 s1  }
0xc8: {  	[bflag:$0x3] =	sbarrier.arrive $0xFFFF  }
0xc9: {  	_ =	shalt  }

</sc_bundles>
